<compile_context>
chip_gen: v7x
topology: tpu7x:2x2x1
jax: 0.10.2.dev20260603
libtpu: 0.0.44.dev20260713+nightly
codegen_flags: <defaults>
</compile_context>

<pallas_src>
import functools

import jax
import jax.numpy as jnp
from jax import lax
from jax.experimental import pallas as pl
from jax.experimental.pallas import tpu as pltpu
from jax.experimental.pallas import tpu_sc as plsc

N = 10000
D = 128
E = 320000
NC, NS = 2, 16
NW = NC * NS
CHUNK = 128
EPT = 10112
NCHUNK = EPT // CHUNK
EPAD = NW * EPT
NPAD = 10112
ROWS_PT = NPAD // NS
HROWS = NPAD // 16
TRASH = 10000
HB = 8
EPS = 1e-5

_mesh = plsc.VectorSubcoreMesh(core_axis_name="c", subcore_axis_name="s")


@functools.partial(
    pl.kernel,
    out_type=jax.ShapeDtypeStruct((NW, HROWS, 128), jnp.float32),
    mesh=_mesh,
    scratch_types=[
        pltpu.VMEM((CHUNK,), jnp.int32),
        pltpu.VMEM((HROWS, 128), jnp.float32),
    ],
    compiler_params=pltpu.CompilerParams(needs_layout_passes=False),
)
def _deg_sc(dst_hbm, histout_hbm, idx_v, hist_v):
    c = lax.axis_index("c")
    s = lax.axis_index("s")
    w = c * NS + s
    base = w * EPT

    @pl.loop(0, HROWS)
    def _(i):
        for j in range(8):
            hist_v[i, pl.ds(j * 16, 16)] = jnp.zeros((16,), jnp.float32)

    lane = lax.iota(jnp.int32, 16)
    bank = lane & (HB - 1)
    lo = lane < 8
    ones = jnp.ones((16,), jnp.float32)

    @pl.loop(0, NCHUNK)
    def _(i):
        pltpu.sync_copy(dst_hbm.at[pl.ds(base + i * CHUNK, CHUNK)], idx_v)
        for j in range(CHUNK // 16):
            idx16 = idx_v[pl.ds(j * 16, 16)]
            row = idx16 >> 4
            col = (idx16 & 15) * HB + bank
            plsc.addupdate_scatter(hist_v, [row, col], ones, mask=lo)
            plsc.addupdate_scatter(hist_v, [row, col], ones, mask=~lo)

    pltpu.sync_copy(hist_v, histout_hbm.at[w])


@functools.partial(
    pl.kernel,
    out_type=jax.ShapeDtypeStruct((NC, NPAD, D), jnp.float32),
    mesh=_mesh,
    scratch_types=[
        pltpu.VMEM((CHUNK,), jnp.int32),
        pltpu.VMEM((CHUNK,), jnp.int32),
        pltpu.VMEM((CHUNK, D), jnp.float32),
        pltpu.VMEM_SHARED((NPAD, D), jnp.float32),
        pltpu.SemaphoreType.DMA,
    ],
)
def _scatter_sc(y_hbm, src_hbm, dst_hbm, zout_hbm, sidx_v, didx_v, rows_v,
                acc_sh, sem):
    c = lax.axis_index("c")
    s = lax.axis_index("s")
    base = (c * NS + s) * EPT
    row0 = s * ROWS_PT

    @pl.loop(0, CHUNK)
    def _(i):
        for j in range(D // 16):
            rows_v[i, pl.ds(j * 16, 16)] = jnp.zeros((16,), jnp.float32)

    for k in range(ROWS_PT // CHUNK):
        pltpu.sync_copy(rows_v, acc_sh.at[pl.ds(row0 + k * CHUNK, CHUNK)])
    _rem = ROWS_PT % CHUNK
    pltpu.sync_copy(rows_v.at[pl.ds(0, _rem)],
                    acc_sh.at[pl.ds(row0 + (ROWS_PT // CHUNK) * CHUNK, _rem)])
    plsc.subcore_barrier()

    @pl.loop(0, NCHUNK)
    def _(i):
        off = base + i * CHUNK
        pltpu.sync_copy(src_hbm.at[pl.ds(off, CHUNK)], sidx_v)
        pltpu.sync_copy(dst_hbm.at[pl.ds(off, CHUNK)], didx_v)
        pltpu.async_copy(y_hbm.at[sidx_v], rows_v, sem).wait()
        pltpu.sync_copy(rows_v, acc_sh.at[didx_v], add=True)

    plsc.subcore_barrier()
    pltpu.sync_copy(acc_sh.at[pl.ds(row0, ROWS_PT)],
                    zout_hbm.at[c, pl.ds(row0, ROWS_PT)])


def _mm_body(x_ref, w_ref, o_ref):
    o_ref[...] = jnp.dot(x_ref[...], w_ref[...],
                         preferred_element_type=jnp.float32)


_mm = pl.pallas_call(
    _mm_body, out_shape=jax.ShapeDtypeStruct((N, D), jnp.float32))


def _degred_body(histp_ref, o_ref):
    h = histp_ref[0]
    for w in range(1, NW):
        h = h + histp_ref[w]
    li = lax.broadcasted_iota(jnp.int32, (128, 16), 0)
    lj = lax.broadcasted_iota(jnp.int32, (128, 16), 1)
    bsel = (li // HB == lj).astype(jnp.float32)
    deg16 = jnp.dot(h, bsel, preferred_element_type=jnp.float32) + 1.0
    o_ref[...] = lax.rsqrt(deg16)


_degred = pl.pallas_call(
    _degred_body, out_shape=jax.ShapeDtypeStruct((HROWS, 16), jnp.float32))


def _scale_body(xw_ref, dinv_ref, y_ref):
    y_ref[...] = xw_ref[...] * dinv_ref[...]


_scale = pl.pallas_call(
    _scale_body, out_shape=jax.ShapeDtypeStruct((N, D), jnp.float32))


def _final_body(z_ref, y_ref, dinv_ref, b_ref, g_ref, be_ref, o_ref):
    z = z_ref[0, :N, :] + z_ref[1, :N, :] + y_ref[...]
    pre = z * dinv_ref[...] + b_ref[...]
    mean = jnp.mean(pre, axis=0, keepdims=True)
    var = jnp.mean((pre - mean) ** 2, axis=0, keepdims=True)
    o_ref[...] = jnp.maximum(
        (pre - mean) * lax.rsqrt(var + EPS) * g_ref[...] + be_ref[...], 0.0)


_final = pl.pallas_call(
    _final_body, out_shape=jax.ShapeDtypeStruct((N, D), jnp.float32))


def kernel(x, edge_index, W, b, gamma, beta):
    src = edge_index[0].astype(jnp.int32)
    dst = edge_index[1].astype(jnp.int32)
    pad = EPAD - E
    src_p = jnp.concatenate([src, jnp.zeros((pad,), jnp.int32)])
    dst_p = jnp.concatenate([dst, jnp.full((pad,), TRASH, jnp.int32)])

    xw = _mm(x, W)
    histp = _deg_sc(dst_p)
    dinv = _degred(histp).reshape(NPAD, 1)[:N]
    y = _scale(xw, dinv)
    zp = _scatter_sc(y, src_p, dst_p)
    return _final(zp, y, dinv, b.reshape(1, D), gamma.reshape(1, D),
                  beta.reshape(1, D))

# --- scband reference (transcript-rebuilt; emitter-appended) ---
"""Pipeline reference for scband-gcnblock-66383014527704 (READ-ONLY COPY).

The authoritative reference and input builder live on the scoring server;
editing this copy changes nothing except your own understanding.
"""

import jax, jax.numpy as jnp
import numpy as np

N_NODES = 10000
N_EDGES = 320000
IN_DIM = 128
OUT_DIM = 128
EPS = 1e-5


def setup_inputs(seed: int = 0) -> dict:
    key = jax.random.key(seed)
    k1, k2, k3, k4 = jax.random.split(key, 4)
    x = jax.random.normal(k1, (N_NODES, IN_DIM), dtype=jnp.float32)
    edge_index = jax.random.randint(k2, (2, N_EDGES), 0, N_NODES, dtype=jnp.int64)
    # GCNConv linear weight (glorot) and bias
    limit = float(np.sqrt(6.0 / (IN_DIM + OUT_DIM)))
    W = jax.random.uniform(k3, (IN_DIM, OUT_DIM), dtype=jnp.float32, minval=-limit, maxval=limit)
    b = jnp.zeros((OUT_DIM,), dtype=jnp.float32)
    # BatchNorm1d affine params
    gamma = jnp.ones((OUT_DIM,), dtype=jnp.float32)
    beta = jnp.zeros((OUT_DIM,), dtype=jnp.float32)
    return {"x": x, "edge_index": edge_index, "W": W, "b": b, "gamma": gamma, "beta": beta}


def reference(x, edge_index, W, b, gamma, beta):
    N = x.shape[0]
    # --- GCNConv: add self loops ---
    loop = jnp.arange(N, dtype=edge_index.dtype)
    src = jnp.concatenate([edge_index[0], loop])
    dst = jnp.concatenate([edge_index[1], loop])
    # symmetric normalization: deg computed on dst (PyG default, col)
    deg = jnp.zeros((N,), dtype=x.dtype).at[dst].add(1.0)
    deg_inv_sqrt = jnp.where(deg > 0, jax.lax.rsqrt(deg), 0.0)
    norm = deg_inv_sqrt[src] * deg_inv_sqrt[dst]
    # linear transform, then message passing (gather + scatter-add)
    xw = x @ W
    msgs = jnp.take(xw, src, axis=0) * norm[:, None]
    out = jnp.zeros((N, xw.shape[1]), dtype=x.dtype).at[dst].add(msgs)
    out = out + b
    # --- BatchNorm1d (training mode: batch statistics, biased variance) ---
    mean = jnp.mean(out, axis=0)
    var = jnp.mean((out - mean) ** 2, axis=0)
    out = (out - mean) * jax.lax.rsqrt(var + EPS) * gamma + beta
    # --- ReLU ---
    out = jnp.maximum(out, 0.0)
    return out

if __name__ == "__main__":
    import jax
    _d = setup_inputs()
    print(jax.jit(kernel)(*tuple(_d.values())))

</pallas_src>

<mosaic_0001>
#map = affine_map<(d0, d1) -> (0)>
#map1 = affine_map<(d0, d1) -> (0, 0, 0)>
module attributes {stable_mosaic.version = 14 : i64} {
  func.func @_deg_sc(%arg0: i32, %arg1: i32, %arg2: memref<323584xi32, #tpu.memory_space<hbm>>, %arg3: memref<32x632x128xf32, #tpu.memory_space<hbm>>, %arg4: memref<128xi32, #tpu.memory_space<vmem>>, %arg5: memref<632x128xf32, #tpu.memory_space<vmem>>) attributes {dimension_semantics = [#tpu.dimension_semantics<core_parallel>, #tpu.dimension_semantics<subcore_parallel>], iteration_bounds = array<i64: 2, 16>, scalar_prefetch = 0 : i64, scratch_operands = 2 : i64, tpu.core_type = #tpu.core_type<sc_vector_subcore>, window_params = [{transform_indices = #map}, {transform_indices = #map1}]} {
    %mul3A = arith.constant 16 : i32
    %mul3A_0 = arith.muli %arg0, %mul3A : i32
    %add3A = arith.addi %mul3A_0, %arg1 : i32
    %mul3A_1 = arith.constant 10112 : i32
    %mul3A_2 = arith.muli %add3A, %mul3A_1 : i32
    %scan3A = arith.constant 0 : i32
    %scan3A_3 = arith.constant 632 : i32
    %scan3A_4 = arith.addi %scan3A, %scan3A_3 : i32
    %scan3A_5 = arith.constant 1 : i32
    scf.for %scan3A_17 = %scan3A to %scan3A_4 step %scan3A_5  : i32 {
      %mul3A_18 = arith.constant 1 : i32
      %mul3A_19 = arith.muli %scan3A_17, %mul3A_18 : i32
      %add3A_20 = arith.constant 0 : i32
      %add3A_21 = arith.addi %add3A_20, %mul3A_19 : i32
      %broadcast_in_dim3A_22 = arith.constant 0.000000e+00 : f32
      %broadcast_in_dim3A_23 = vector.broadcast %broadcast_in_dim3A_22 : f32 to vector<16xf32>
      %swap3A = arith.index_cast %add3A_21 : i32 to index
      %swap3A_24 = arith.constant 0 : index
      %swap3A_25 = tpu.vector_load %arg5[%swap3A, %swap3A_24] {strides = array<i32>} : memref<632x128xf32, #tpu.memory_space<vmem>>, vector<16xf32>,
      tpu.vector_store %arg5[%swap3A, %swap3A_24], %broadcast_in_dim3A_23 {strides = array<i32>} : memref<632x128xf32, #tpu.memory_space<vmem>>, vector<16xf32>,
      %broadcast_in_dim3A_26 = arith.constant 0.000000e+00 : f32
      %broadcast_in_dim3A_27 = vector.broadcast %broadcast_in_dim3A_26 : f32 to vector<16xf32>
      %swap3A_28 = arith.index_cast %add3A_21 : i32 to index
      %swap3A_29 = arith.constant 16 : index
      %swap3A_30 = tpu.vector_load %arg5[%swap3A_28, %swap3A_29] {strides = array<i32>} : memref<632x128xf32, #tpu.memory_space<vmem>>, vector<16xf32>,
      tpu.vector_store %arg5[%swap3A_28, %swap3A_29], %broadcast_in_dim3A_27 {strides = array<i32>} : memref<632x128xf32, #tpu.memory_space<vmem>>, vector<16xf32>,
      %broadcast_in_dim3A_31 = arith.constant 0.000000e+00 : f32
      %broadcast_in_dim3A_32 = vector.broadcast %broadcast_in_dim3A_31 : f32 to vector<16xf32>
      %swap3A_33 = arith.index_cast %add3A_21 : i32 to index
      %swap3A_34 = arith.constant 32 : index
      %swap3A_35 = tpu.vector_load %arg5[%swap3A_33, %swap3A_34] {strides = array<i32>} : memref<632x128xf32, #tpu.memory_space<vmem>>, vector<16xf32>,
      tpu.vector_store %arg5[%swap3A_33, %swap3A_34], %broadcast_in_dim3A_32 {strides = array<i32>} : memref<632x128xf32, #tpu.memory_space<vmem>>, vector<16xf32>,
      %broadcast_in_dim3A_36 = arith.constant 0.000000e+00 : f32
      %broadcast_in_dim3A_37 = vector.broadcast %broadcast_in_dim3A_36 : f32 to vector<16xf32>
      %swap3A_38 = arith.index_cast %add3A_21 : i32 to index
      %swap3A_39 = arith.constant 48 : index
      %swap3A_40 = tpu.vector_load %arg5[%swap3A_38, %swap3A_39] {strides = array<i32>} : memref<632x128xf32, #tpu.memory_space<vmem>>, vector<16xf32>,
      tpu.vector_store %arg5[%swap3A_38, %swap3A_39], %broadcast_in_dim3A_37 {strides = array<i32>} : memref<632x128xf32, #tpu.memory_space<vmem>>, vector<16xf32>,
      %broadcast_in_dim3A_41 = arith.constant 0.000000e+00 : f32
      %broadcast_in_dim3A_42 = vector.broadcast %broadcast_in_dim3A_41 : f32 to vector<16xf32>
      %swap3A_43 = arith.index_cast %add3A_21 : i32 to index
      %swap3A_44 = arith.constant 64 : index
      %swap3A_45 = tpu.vector_load %arg5[%swap3A_43, %swap3A_44] {strides = array<i32>} : memref<632x128xf32, #tpu.memory_space<vmem>>, vector<16xf32>,
      tpu.vector_store %arg5[%swap3A_43, %swap3A_44], %broadcast_in_dim3A_42 {strides = array<i32>} : memref<632x128xf32, #tpu.memory_space<vmem>>, vector<16xf32>,
      %broadcast_in_dim3A_46 = arith.constant 0.000000e+00 : f32
      %broadcast_in_dim3A_47 = vector.broadcast %broadcast_in_dim3A_46 : f32 to vector<16xf32>
      %swap3A_48 = arith.index_cast %add3A_21 : i32 to index
      %swap3A_49 = arith.constant 80 : index
      %swap3A_50 = tpu.vector_load %arg5[%swap3A_48, %swap3A_49] {strides = array<i32>} : memref<632x128xf32, #tpu.memory_space<vmem>>, vector<16xf32>,
      tpu.vector_store %arg5[%swap3A_48, %swap3A_49], %broadcast_in_dim3A_47 {strides = array<i32>} : memref<632x128xf32, #tpu.memory_space<vmem>>, vector<16xf32>,
      %broadcast_in_dim3A_51 = arith.constant 0.000000e+00 : f32
      %broadcast_in_dim3A_52 = vector.broadcast %broadcast_in_dim3A_51 : f32 to vector<16xf32>
      %swap3A_53 = arith.index_cast %add3A_21 : i32 to index
      %swap3A_54 = arith.constant 96 : index
      %swap3A_55 = tpu.vector_load %arg5[%swap3A_53, %swap3A_54] {strides = array<i32>} : memref<632x128xf32, #tpu.memory_space<vmem>>, vector<16xf32>,
      tpu.vector_store %arg5[%swap3A_53, %swap3A_54], %broadcast_in_dim3A_52 {strides = array<i32>} : memref<632x128xf32, #tpu.memory_space<vmem>>, vector<16xf32>,
      %broadcast_in_dim3A_56 = arith.constant 0.000000e+00 : f32
      %broadcast_in_dim3A_57 = vector.broadcast %broadcast_in_dim3A_56 : f32 to vector<16xf32>
      %swap3A_58 = arith.index_cast %add3A_21 : i32 to index
      %swap3A_59 = arith.constant 112 : index
      %swap3A_60 = tpu.vector_load %arg5[%swap3A_58, %swap3A_59] {strides = array<i32>} : memref<632x128xf32, #tpu.memory_space<vmem>>, vector<16xf32>,
      tpu.vector_store %arg5[%swap3A_58, %swap3A_59], %broadcast_in_dim3A_57 {strides = array<i32>} : memref<632x128xf32, #tpu.memory_space<vmem>>, vector<16xf32>,
    }
    %scan3A_6 = arith.constant 632 : i32
    %iota3A = tpu.iota {dimensions = array<i32: 0>} : vector<16xi32>
    %and3A = arith.constant 7 : i32
    %and3A_7 = vector.broadcast %and3A : i32 to vector<16xi32>
    %and3A_8 = arith.andi %iota3A, %and3A_7 : vector<16xi32>
    %lt3A = arith.constant 8 : i32
    %lt3A_9 = vector.broadcast %lt3A : i32 to vector<16xi32>
    %lt3A_10 = arith.cmpi slt, %iota3A, %lt3A_9 : vector<16xi32>
    %broadcast_in_dim3A = arith.constant 1.000000e+00 : f32
    %broadcast_in_dim3A_11 = vector.broadcast %broadcast_in_dim3A : f32 to vector<16xf32>
    %scan3A_12 = arith.constant 0 : i32
    %scan3A_13 = arith.constant 79 : i32
    %scan3A_14 = arith.addi %scan3A_12, %scan3A_13 : i32
    %scan3A_15 = arith.constant 1 : i32
    scf.for %scan3A_17 = %scan3A_12 to %scan3A_14 step %scan3A_15  : i32 {
      %mul3A_18 = arith.constant 1 : i32
      %mul3A_19 = arith.muli %scan3A_17, %mul3A_18 : i32
      %add3A_20 = arith.constant 0 : i32
      %add3A_21 = arith.addi %add3A_20, %mul3A_19 : i32
      %mul3A_22 = arith.constant 128 : i32
      %mul3A_23 = arith.muli %add3A_21, %mul3A_22 : i32
      %add3A_24 = arith.addi %mul3A_2, %mul3A_23 : i32
      "tpu.region"() ({
        %run_scoped3A = tpu.sem_alloc : memref<!tpu.dma_semaphore, #tpu.memory_space<semaphore_mem>>
        %dma_start3A = tpu.memref_slice %arg2[%add3A_24] : memref<323584xi32, #tpu.memory_space<hbm>> -> memref<128xi32, #tpu.memory_space<hbm>>
        %dma_start3A_134 = tpu.memref_slice %arg2[%add3A_24] : memref<323584xi32, #tpu.memory_space<hbm>> -> memref<128xi32, #tpu.memory_space<hbm>>
        tpu.enqueue_dma source(%dma_start3A_134 : memref<128xi32, #tpu.memory_space<hbm>>) target(%arg4 : memref<128xi32, #tpu.memory_space<vmem>>) target_semaphore(%run_scoped3A : memref<!tpu.dma_semaphore, #tpu.memory_space<semaphore_mem>>)
        %dma_wait3A = tpu.memref_slice %arg2[%add3A_24] : memref<323584xi32, #tpu.memory_space<hbm>> -> memref<128xi32, #tpu.memory_space<hbm>>
        %dma_wait3A_135 = tpu.memref_slice %arg2[%add3A_24] : memref<323584xi32, #tpu.memory_space<hbm>> -> memref<128xi32, #tpu.memory_space<hbm>>
        tpu.wait_dma2 semaphore(%run_scoped3A : memref<!tpu.dma_semaphore, #tpu.memory_space<semaphore_mem>>) src(%dma_wait3A_135 : memref<128xi32, #tpu.memory_space<hbm>>) dst(%arg4 : memref<128xi32, #tpu.memory_space<vmem>>)
        tpu.yield
      }) : () -> ()
      %get3A = arith.constant 0 : index
      %get3A_25 = tpu.vector_load %arg4[%get3A] {strides = array<i32>} : memref<128xi32, #tpu.memory_space<vmem>>, vector<16xi32>,
      %shift_right_arithmetic3A = arith.constant 4 : i32
      %shift_right_arithmetic3A_26 = vector.broadcast %shift_right_arithmetic3A : i32 to vector<16xi32>
      %shift_right_arithmetic3A_27 = arith.shrsi %get3A_25, %shift_right_arithmetic3A_26 : vector<16xi32>
      %and3A_28 = arith.constant 15 : i32
      %and3A_29 = vector.broadcast %and3A_28 : i32 to vector<16xi32>
      %and3A_30 = arith.andi %get3A_25, %and3A_29 : vector<16xi32>
      %mul3A_31 = arith.constant 8 : i32
      %mul3A_32 = vector.broadcast %mul3A_31 : i32 to vector<16xi32>
      %mul3A_33 = arith.muli %and3A_30, %mul3A_32 : vector<16xi32>
      %add3A_34 = arith.addi %mul3A_33, %and3A_8 : vector<16xi32>
      tpu.vector_store_idx %arg5[%shift_right_arithmetic3A_27, %add3A_34], %broadcast_in_dim3A_11 masked %lt3A_10 {add = true} : memref<632x128xf32, #tpu.memory_space<vmem>>[vector<16xi32>, vector<16xi32>], vector<16xf32>, vector<16xi1>
      %not3A = arith.constant dense<true> : vector<16xi1>
      %not3A_35 = arith.xori %lt3A_10, %not3A : vector<16xi1>
      tpu.vector_store_idx %arg5[%shift_right_arithmetic3A_27, %add3A_34], %broadcast_in_dim3A_11 masked %not3A_35 {add = true} : memref<632x128xf32, #tpu.memory_space<vmem>>[vector<16xi32>, vector<16xi32>], vector<16xf32>, vector<16xi1>
      %get3A_36 = arith.constant 16 : index
      %get3A_37 = tpu.vector_load %arg4[%get3A_36] {strides = array<i32>} : memref<128xi32, #tpu.memory_space<vmem>>, vector<16xi32>,
      %shift_right_arithmetic3A_38 = arith.constant 4 : i32
      %shift_right_arithmetic3A_39 = vector.broadcast %shift_right_arithmetic3A_38 : i32 to vector<16xi32>
      %shift_right_arithmetic3A_40 = arith.shrsi %get3A_37, %shift_right_arithmetic3A_39 : vector<16xi32>
      %and3A_41 = arith.constant 15 : i32
      %and3A_42 = vector.broadcast %and3A_41 : i32 to vector<16xi32>
      %and3A_43 = arith.andi %get3A_37, %and3A_42 : vector<16xi32>
      %mul3A_44 = arith.constant 8 : i32
      %mul3A_45 = vector.broadcast %mul3A_44 : i32 to vector<16xi32>
      %mul3A_46 = arith.muli %and3A_43, %mul3A_45 : vector<16xi32>
      %add3A_47 = arith.addi %mul3A_46, %and3A_8 : vector<16xi32>
      tpu.vector_store_idx %arg5[%shift_right_arithmetic3A_40, %add3A_47], %broadcast_in_dim3A_11 masked %lt3A_10 {add = true} : memref<632x128xf32, #tpu.memory_space<vmem>>[vector<16xi32>, vector<16xi32>], vector<16xf32>, vector<16xi1>
      %not3A_48 = arith.constant dense<true> : vector<16xi1>
      %not3A_49 = arith.xori %lt3A_10, %not3A_48 : vector<16xi1>
      tpu.vector_store_idx %arg5[%shift_right_arithmetic3A_40, %add3A_47], %broadcast_in_dim3A_11 masked %not3A_49 {add = true} : memref<632x128xf32, #tpu.memory_space<vmem>>[vector<16xi32>, vector<16xi32>], vector<16xf32>, vector<16xi1>
      %get3A_50 = arith.constant 32 : index
      %get3A_51 = tpu.vector_load %arg4[%get3A_50] {strides = array<i32>} : memref<128xi32, #tpu.memory_space<vmem>>, vector<16xi32>,
      %shift_right_arithmetic3A_52 = arith.constant 4 : i32
      %shift_right_arithmetic3A_53 = vector.broadcast %shift_right_arithmetic3A_52 : i32 to vector<16xi32>
      %shift_right_arithmetic3A_54 = arith.shrsi %get3A_51, %shift_right_arithmetic3A_53 : vector<16xi32>
      %and3A_55 = arith.constant 15 : i32
      %and3A_56 = vector.broadcast %and3A_55 : i32 to vector<16xi32>
      %and3A_57 = arith.andi %get3A_51, %and3A_56 : vector<16xi32>
      %mul3A_58 = arith.constant 8 : i32
      %mul3A_59 = vector.broadcast %mul3A_58 : i32 to vector<16xi32>
      %mul3A_60 = arith.muli %and3A_57, %mul3A_59 : vector<16xi32>
      %add3A_61 = arith.addi %mul3A_60, %and3A_8 : vector<16xi32>
      tpu.vector_store_idx %arg5[%shift_right_arithmetic3A_54, %add3A_61], %broadcast_in_dim3A_11 masked %lt3A_10 {add = true} : memref<632x128xf32, #tpu.memory_space<vmem>>[vector<16xi32>, vector<16xi32>], vector<16xf32>, vector<16xi1>
      %not3A_62 = arith.constant dense<true> : vector<16xi1>
      %not3A_63 = arith.xori %lt3A_10, %not3A_62 : vector<16xi1>
      tpu.vector_store_idx %arg5[%shift_right_arithmetic3A_54, %add3A_61], %broadcast_in_dim3A_11 masked %not3A_63 {add = true} : memref<632x128xf32, #tpu.memory_space<vmem>>[vector<16xi32>, vector<16xi32>], vector<16xf32>, vector<16xi1>
      %get3A_64 = arith.constant 48 : index
      %get3A_65 = tpu.vector_load %arg4[%get3A_64] {strides = array<i32>} : memref<128xi32, #tpu.memory_space<vmem>>, vector<16xi32>,
      %shift_right_arithmetic3A_66 = arith.constant 4 : i32
      %shift_right_arithmetic3A_67 = vector.broadcast %shift_right_arithmetic3A_66 : i32 to vector<16xi32>
      %shift_right_arithmetic3A_68 = arith.shrsi %get3A_65, %shift_right_arithmetic3A_67 : vector<16xi32>
      %and3A_69 = arith.constant 15 : i32
      %and3A_70 = vector.broadcast %and3A_69 : i32 to vector<16xi32>
      %and3A_71 = arith.andi %get3A_65, %and3A_70 : vector<16xi32>
      %mul3A_72 = arith.constant 8 : i32
      %mul3A_73 = vector.broadcast %mul3A_72 : i32 to vector<16xi32>
      %mul3A_74 = arith.muli %and3A_71, %mul3A_73 : vector<16xi32>
      %add3A_75 = arith.addi %mul3A_74, %and3A_8 : vector<16xi32>
      tpu.vector_store_idx %arg5[%shift_right_arithmetic3A_68, %add3A_75], %broadcast_in_dim3A_11 masked %lt3A_10 {add = true} : memref<632x128xf32, #tpu.memory_space<vmem>>[vector<16xi32>, vector<16xi32>], vector<16xf32>, vector<16xi1>
      %not3A_76 = arith.constant dense<true> : vector<16xi1>
      %not3A_77 = arith.xori %lt3A_10, %not3A_76 : vector<16xi1>
      tpu.vector_store_idx %arg5[%shift_right_arithmetic3A_68, %add3A_75], %broadcast_in_dim3A_11 masked %not3A_77 {add = true} : memref<632x128xf32, #tpu.memory_space<vmem>>[vector<16xi32>, vector<16xi32>], vector<16xf32>, vector<16xi1>
      %get3A_78 = arith.constant 64 : index
      %get3A_79 = tpu.vector_load %arg4[%get3A_78] {strides = array<i32>} : memref<128xi32, #tpu.memory_space<vmem>>, vector<16xi32>,
      %shift_right_arithmetic3A_80 = arith.constant 4 : i32
      %shift_right_arithmetic3A_81 = vector.broadcast %shift_right_arithmetic3A_80 : i32 to vector<16xi32>
      %shift_right_arithmetic3A_82 = arith.shrsi %get3A_79, %shift_right_arithmetic3A_81 : vector<16xi32>
      %and3A_83 = arith.constant 15 : i32
      %and3A_84 = vector.broadcast %and3A_83 : i32 to vector<16xi32>
      %and3A_85 = arith.andi %get3A_79, %and3A_84 : vector<16xi32>
      %mul3A_86 = arith.constant 8 : i32
      %mul3A_87 = vector.broadcast %mul3A_86 : i32 to vector<16xi32>
      %mul3A_88 = arith.muli %and3A_85, %mul3A_87 : vector<16xi32>
      %add3A_89 = arith.addi %mul3A_88, %and3A_8 : vector<16xi32>
      tpu.vector_store_idx %arg5[%shift_right_arithmetic3A_82, %add3A_89], %broadcast_in_dim3A_11 masked %lt3A_10 {add = true} : memref<632x128xf32, #tpu.memory_space<vmem>>[vector<16xi32>, vector<16xi32>], vector<16xf32>, vector<16xi1>
      %not3A_90 = arith.constant dense<true> : vector<16xi1>
      %not3A_91 = arith.xori %lt3A_10, %not3A_90 : vector<16xi1>
      tpu.vector_store_idx %arg5[%shift_right_arithmetic3A_82, %add3A_89], %broadcast_in_dim3A_11 masked %not3A_91 {add = true} : memref<632x128xf32, #tpu.memory_space<vmem>>[vector<16xi32>, vector<16xi32>], vector<16xf32>, vector<16xi1>
      %get3A_92 = arith.constant 80 : index
      %get3A_93 = tpu.vector_load %arg4[%get3A_92] {strides = array<i32>} : memref<128xi32, #tpu.memory_space<vmem>>, vector<16xi32>,
      %shift_right_arithmetic3A_94 = arith.constant 4 : i32
      %shift_right_arithmetic3A_95 = vector.broadcast %shift_right_arithmetic3A_94 : i32 to vector<16xi32>
      %shift_right_arithmetic3A_96 = arith.shrsi %get3A_93, %shift_right_arithmetic3A_95 : vector<16xi32>
      %and3A_97 = arith.constant 15 : i32
      %and3A_98 = vector.broadcast %and3A_97 : i32 to vector<16xi32>
      %and3A_99 = arith.andi %get3A_93, %and3A_98 : vector<16xi32>
      %mul3A_100 = arith.constant 8 : i32
      %mul3A_101 = vector.broadcast %mul3A_100 : i32 to vector<16xi32>
      %mul3A_102 = arith.muli %and3A_99, %mul3A_101 : vector<16xi32>
      %add3A_103 = arith.addi %mul3A_102, %and3A_8 : vector<16xi32>
      tpu.vector_store_idx %arg5[%shift_right_arithmetic3A_96, %add3A_103], %broadcast_in_dim3A_11 masked %lt3A_10 {add = true} : memref<632x128xf32, #tpu.memory_space<vmem>>[vector<16xi32>, vector<16xi32>], vector<16xf32>, vector<16xi1>
      %not3A_104 = arith.constant dense<true> : vector<16xi1>
      %not3A_105 = arith.xori %lt3A_10, %not3A_104 : vector<16xi1>
      tpu.vector_store_idx %arg5[%shift_right_arithmetic3A_96, %add3A_103], %broadcast_in_dim3A_11 masked %not3A_105 {add = true} : memref<632x128xf32, #tpu.memory_space<vmem>>[vector<16xi32>, vector<16xi32>], vector<16xf32>, vector<16xi1>
      %get3A_106 = arith.constant 96 : index
      %get3A_107 = tpu.vector_load %arg4[%get3A_106] {strides = array<i32>} : memref<128xi32, #tpu.memory_space<vmem>>, vector<16xi32>,
      %shift_right_arithmetic3A_108 = arith.constant 4 : i32
      %shift_right_arithmetic3A_109 = vector.broadcast %shift_right_arithmetic3A_108 : i32 to vector<16xi32>
      %shift_right_arithmetic3A_110 = arith.shrsi %get3A_107, %shift_right_arithmetic3A_109 : vector<16xi32>
      %and3A_111 = arith.constant 15 : i32
      %and3A_112 = vector.broadcast %and3A_111 : i32 to vector<16xi32>
      %and3A_113 = arith.andi %get3A_107, %and3A_112 : vector<16xi32>
      %mul3A_114 = arith.constant 8 : i32
      %mul3A_115 = vector.broadcast %mul3A_114 : i32 to vector<16xi32>
      %mul3A_116 = arith.muli %and3A_113, %mul3A_115 : vector<16xi32>
      %add3A_117 = arith.addi %mul3A_116, %and3A_8 : vector<16xi32>
      tpu.vector_store_idx %arg5[%shift_right_arithmetic3A_110, %add3A_117], %broadcast_in_dim3A_11 masked %lt3A_10 {add = true} : memref<632x128xf32, #tpu.memory_space<vmem>>[vector<16xi32>, vector<16xi32>], vector<16xf32>, vector<16xi1>
      %not3A_118 = arith.constant dense<true> : vector<16xi1>
      %not3A_119 = arith.xori %lt3A_10, %not3A_118 : vector<16xi1>
      tpu.vector_store_idx %arg5[%shift_right_arithmetic3A_110, %add3A_117], %broadcast_in_dim3A_11 masked %not3A_119 {add = true} : memref<632x128xf32, #tpu.memory_space<vmem>>[vector<16xi32>, vector<16xi32>], vector<16xf32>, vector<16xi1>
      %get3A_120 = arith.constant 112 : index
      %get3A_121 = tpu.vector_load %arg4[%get3A_120] {strides = array<i32>} : memref<128xi32, #tpu.memory_space<vmem>>, vector<16xi32>,
      %shift_right_arithmetic3A_122 = arith.constant 4 : i32
      %shift_right_arithmetic3A_123 = vector.broadcast %shift_right_arithmetic3A_122 : i32 to vector<16xi32>
      %shift_right_arithmetic3A_124 = arith.shrsi %get3A_121, %shift_right_arithmetic3A_123 : vector<16xi32>
      %and3A_125 = arith.constant 15 : i32
      %and3A_126 = vector.broadcast %and3A_125 : i32 to vector<16xi32>
      %and3A_127 = arith.andi %get3A_121, %and3A_126 : vector<16xi32>
      %mul3A_128 = arith.constant 8 : i32
      %mul3A_129 = vector.broadcast %mul3A_128 : i32 to vector<16xi32>
      %mul3A_130 = arith.muli %and3A_127, %mul3A_129 : vector<16xi32>
      %add3A_131 = arith.addi %mul3A_130, %and3A_8 : vector<16xi32>
      tpu.vector_store_idx %arg5[%shift_right_arithmetic3A_124, %add3A_131], %broadcast_in_dim3A_11 masked %lt3A_10 {add = true} : memref<632x128xf32, #tpu.memory_space<vmem>>[vector<16xi32>, vector<16xi32>], vector<16xf32>, vector<16xi1>
      %not3A_132 = arith.constant dense<true> : vector<16xi1>
      %not3A_133 = arith.xori %lt3A_10, %not3A_132 : vector<16xi1>
      tpu.vector_store_idx %arg5[%shift_right_arithmetic3A_124, %add3A_131], %broadcast_in_dim3A_11 masked %not3A_133 {add = true} : memref<632x128xf32, #tpu.memory_space<vmem>>[vector<16xi32>, vector<16xi32>], vector<16xf32>, vector<16xi1>
    }
    %scan3A_16 = arith.constant 79 : i32
    "tpu.region"() ({
      %run_scoped3A = tpu.sem_alloc : memref<!tpu.dma_semaphore, #tpu.memory_space<semaphore_mem>>
      %dma_start3A = arith.constant 0 : i32
      %dma_start3A_17 = arith.constant 0 : i32
      %dma_start3A_18 = tpu.memref_slice %arg3[%add3A, %dma_start3A, %dma_start3A_17] : memref<32x632x128xf32, #tpu.memory_space<hbm>> -> memref<1x632x128xf32, #tpu.memory_space<hbm>>
      %dma_start3A_19 = tpu.memref_squeeze %dma_start3A_18 : memref<1x632x128xf32, #tpu.memory_space<hbm>> -> memref<632x128xf32, #tpu.memory_space<hbm>>
      %dma_start3A_20 = arith.constant 0 : i32
      %dma_start3A_21 = arith.constant 0 : i32
      %dma_start3A_22 = tpu.memref_slice %arg3[%add3A, %dma_start3A_20, %dma_start3A_21] : memref<32x632x128xf32, #tpu.memory_space<hbm>> -> memref<1x632x128xf32, #tpu.memory_space<hbm>>
      %dma_start3A_23 = tpu.memref_squeeze %dma_start3A_22 : memref<1x632x128xf32, #tpu.memory_space<hbm>> -> memref<632x128xf32, #tpu.memory_space<hbm>>
      tpu.enqueue_dma source(%arg5 : memref<632x128xf32, #tpu.memory_space<vmem>>) target(%dma_start3A_23 : memref<632x128xf32, #tpu.memory_space<hbm>>) target_semaphore(%run_scoped3A : memref<!tpu.dma_semaphore, #tpu.memory_space<semaphore_mem>>)
      %dma_wait3A = arith.constant 0 : i32
      %dma_wait3A_24 = arith.constant 0 : i32
      %dma_wait3A_25 = tpu.memref_slice %arg3[%add3A, %dma_wait3A, %dma_wait3A_24] : memref<32x632x128xf32, #tpu.memory_space<hbm>> -> memref<1x632x128xf32, #tpu.memory_space<hbm>>
      %dma_wait3A_26 = tpu.memref_squeeze %dma_wait3A_25 : memref<1x632x128xf32, #tpu.memory_space<hbm>> -> memref<632x128xf32, #tpu.memory_space<hbm>>
      %dma_wait3A_27 = arith.constant 0 : i32
      %dma_wait3A_28 = arith.constant 0 : i32
      %dma_wait3A_29 = tpu.memref_slice %arg3[%add3A, %dma_wait3A_27, %dma_wait3A_28] : memref<32x632x128xf32, #tpu.memory_space<hbm>> -> memref<1x632x128xf32, #tpu.memory_space<hbm>>
      %dma_wait3A_30 = tpu.memref_squeeze %dma_wait3A_29 : memref<1x632x128xf32, #tpu.memory_space<hbm>> -> memref<632x128xf32, #tpu.memory_space<hbm>>
      tpu.wait_dma2 semaphore(%run_scoped3A : memref<!tpu.dma_semaphore, #tpu.memory_space<semaphore_mem>>) src(%arg5 : memref<632x128xf32, #tpu.memory_space<vmem>>) dst(%dma_wait3A_30 : memref<632x128xf32, #tpu.memory_space<hbm>>)
      tpu.yield
    }) : () -> ()
    return
  }
}

#map = affine_map<(d0, d1) -> (0, 0)>
#map1 = affine_map<(d0, d1) -> (0)>
#map2 = affine_map<(d0, d1) -> (0, 0, 0)>
module attributes {stable_mosaic.version = 14 : i64} {
  func.func @_scatter_sc(%arg0: i32, %arg1: i32, %arg2: memref<10000x128xf32, #tpu.memory_space<hbm>>, %arg3: memref<323584xi32, #tpu.memory_space<hbm>>, %arg4: memref<323584xi32, #tpu.memory_space<hbm>>, %arg5: memref<2x10112x128xf32, #tpu.memory_space<hbm>>, %arg6: memref<128xi32, #tpu.memory_space<vmem>>, %arg7: memref<128xi32, #tpu.memory_space<vmem>>, %arg8: memref<128x128xf32, #tpu.memory_space<vmem>>, %arg9: memref<10112x128xf32, #tpu.memory_space<vmem_shared>>, %arg10: memref<!tpu.dma_semaphore, #tpu.memory_space<semaphore_mem>>) attributes {dimension_semantics = [#tpu.dimension_semantics<core_parallel>, #tpu.dimension_semantics<subcore_parallel>], iteration_bounds = array<i64: 2, 16>, scalar_prefetch = 0 : i64, scratch_operands = 5 : i64, tpu.core_type = #tpu.core_type<sc_vector_subcore>, window_params = [{transform_indices = #map}, {transform_indices = #map1}, {transform_indices = #map1}, {transform_indices = #map2}]} {
    %mul3A = arith.constant 16 : i32
    %mul3A_0 = arith.muli %arg0, %mul3A : i32
    %add3A = arith.addi %mul3A_0, %arg1 : i32
    %mul3A_1 = arith.constant 10112 : i32
    %mul3A_2 = arith.muli %add3A, %mul3A_1 : i32
    %mul3A_3 = arith.constant 632 : i32
    %mul3A_4 = arith.muli %arg1, %mul3A_3 : i32
    %scan3A = arith.constant 0 : i32
    %scan3A_5 = arith.constant 128 : i32
    %scan3A_6 = arith.addi %scan3A, %scan3A_5 : i32
    %scan3A_7 = arith.constant 1 : i32
    scf.for %scan3A_25 = %scan3A to %scan3A_6 step %scan3A_7  : i32 {
      %mul3A_26 = arith.constant 1 : i32
      %mul3A_27 = arith.muli %scan3A_25, %mul3A_26 : i32
      %add3A_28 = arith.constant 0 : i32
      %add3A_29 = arith.addi %add3A_28, %mul3A_27 : i32
      %broadcast_in_dim3A = arith.constant 0.000000e+00 : f32
      %broadcast_in_dim3A_30 = vector.broadcast %broadcast_in_dim3A : f32 to vector<16xf32>
      %swap3A = arith.index_cast %add3A_29 : i32 to index
      %swap3A_31 = arith.constant 0 : index
      %swap3A_32 = tpu.vector_load %arg8[%swap3A, %swap3A_31] {strides = array<i32>} : memref<128x128xf32, #tpu.memory_space<vmem>>, vector<1x16xf32>,
      %swap3A_33 = vector.shape_cast %swap3A_32 : vector<1x16xf32> to vector<16xf32>
      %swap3A_34 = vector.shape_cast %broadcast_in_dim3A_30 : vector<16xf32> to vector<1x16xf32>
      tpu.vector_store %arg8[%swap3A, %swap3A_31], %swap3A_34 {strides = array<i32>} : memref<128x128xf32, #tpu.memory_space<vmem>>, vector<1x16xf32>,
      %broadcast_in_dim3A_35 = arith.constant 0.000000e+00 : f32
      %broadcast_in_dim3A_36 = vector.broadcast %broadcast_in_dim3A_35 : f32 to vector<16xf32>
      %swap3A_37 = arith.index_cast %add3A_29 : i32 to index
      %swap3A_38 = arith.constant 16 : index
      %swap3A_39 = tpu.vector_load %arg8[%swap3A_37, %swap3A_38] {strides = array<i32>} : memref<128x128xf32, #tpu.memory_space<vmem>>, vector<1x16xf32>,
      %swap3A_40 = vector.shape_cast %swap3A_39 : vector<1x16xf32> to vector<16xf32>
      %swap3A_41 = vector.shape_cast %broadcast_in_dim3A_36 : vector<16xf32> to vector<1x16xf32>
      tpu.vector_store %arg8[%swap3A_37, %swap3A_38], %swap3A_41 {strides = array<i32>} : memref<128x128xf32, #tpu.memory_space<vmem>>, vector<1x16xf32>,
      %broadcast_in_dim3A_42 = arith.constant 0.000000e+00 : f32
      %broadcast_in_dim3A_43 = vector.broadcast %broadcast_in_dim3A_42 : f32 to vector<16xf32>
      %swap3A_44 = arith.index_cast %add3A_29 : i32 to index
      %swap3A_45 = arith.constant 32 : index
      %swap3A_46 = tpu.vector_load %arg8[%swap3A_44, %swap3A_45] {strides = array<i32>} : memref<128x128xf32, #tpu.memory_space<vmem>>, vector<1x16xf32>,
      %swap3A_47 = vector.shape_cast %swap3A_46 : vector<1x16xf32> to vector<16xf32>
      %swap3A_48 = vector.shape_cast %broadcast_in_dim3A_43 : vector<16xf32> to vector<1x16xf32>
      tpu.vector_store %arg8[%swap3A_44, %swap3A_45], %swap3A_48 {strides = array<i32>} : memref<128x128xf32, #tpu.memory_space<vmem>>, vector<1x16xf32>,
      %broadcast_in_dim3A_49 = arith.constant 0.000000e+00 : f32
      %broadcast_in_dim3A_50 = vector.broadcast %broadcast_in_dim3A_49 : f32 to vector<16xf32>
      %swap3A_51 = arith.index_cast %add3A_29 : i32 to index
      %swap3A_52 = arith.constant 48 : index
      %swap3A_53 = tpu.vector_load %arg8[%swap3A_51, %swap3A_52] {strides = array<i32>} : memref<128x128xf32, #tpu.memory_space<vmem>>, vector<1x16xf32>,
      %swap3A_54 = vector.shape_cast %swap3A_53 : vector<1x16xf32> to vector<16xf32>
      %swap3A_55 = vector.shape_cast %broadcast_in_dim3A_50 : vector<16xf32> to vector<1x16xf32>
      tpu.vector_store %arg8[%swap3A_51, %swap3A_52], %swap3A_55 {strides = array<i32>} : memref<128x128xf32, #tpu.memory_space<vmem>>, vector<1x16xf32>,
      %broadcast_in_dim3A_56 = arith.constant 0.000000e+00 : f32
      %broadcast_in_dim3A_57 = vector.broadcast %broadcast_in_dim3A_56 : f32 to vector<16xf32>
      %swap3A_58 = arith.index_cast %add3A_29 : i32 to index
      %swap3A_59 = arith.constant 64 : index
      %swap3A_60 = tpu.vector_load %arg8[%swap3A_58, %swap3A_59] {strides = array<i32>} : memref<128x128xf32, #tpu.memory_space<vmem>>, vector<1x16xf32>,
      %swap3A_61 = vector.shape_cast %swap3A_60 : vector<1x16xf32> to vector<16xf32>
      %swap3A_62 = vector.shape_cast %broadcast_in_dim3A_57 : vector<16xf32> to vector<1x16xf32>
      tpu.vector_store %arg8[%swap3A_58, %swap3A_59], %swap3A_62 {strides = array<i32>} : memref<128x128xf32, #tpu.memory_space<vmem>>, vector<1x16xf32>,
      %broadcast_in_dim3A_63 = arith.constant 0.000000e+00 : f32
      %broadcast_in_dim3A_64 = vector.broadcast %broadcast_in_dim3A_63 : f32 to vector<16xf32>
      %swap3A_65 = arith.index_cast %add3A_29 : i32 to index
      %swap3A_66 = arith.constant 80 : index
      %swap3A_67 = tpu.vector_load %arg8[%swap3A_65, %swap3A_66] {strides = array<i32>} : memref<128x128xf32, #tpu.memory_space<vmem>>, vector<1x16xf32>,
      %swap3A_68 = vector.shape_cast %swap3A_67 : vector<1x16xf32> to vector<16xf32>
      %swap3A_69 = vector.shape_cast %broadcast_in_dim3A_64 : vector<16xf32> to vector<1x16xf32>
      tpu.vector_store %arg8[%swap3A_65, %swap3A_66], %swap3A_69 {strides = array<i32>} : memref<128x128xf32, #tpu.memory_space<vmem>>, vector<1x16xf32>,
      %broadcast_in_dim3A_70 = arith.constant 0.000000e+00 : f32
      %broadcast_in_dim3A_71 = vector.broadcast %broadcast_in_dim3A_70 : f32 to vector<16xf32>
      %swap3A_72 = arith.index_cast %add3A_29 : i32 to index
      %swap3A_73 = arith.constant 96 : index
      %swap3A_74 = tpu.vector_load %arg8[%swap3A_72, %swap3A_73] {strides = array<i32>} : memref<128x128xf32, #tpu.memory_space<vmem>>, vector<1x16xf32>,
      %swap3A_75 = vector.shape_cast %swap3A_74 : vector<1x16xf32> to vector<16xf32>
      %swap3A_76 = vector.shape_cast %broadcast_in_dim3A_71 : vector<16xf32> to vector<1x16xf32>
      tpu.vector_store %arg8[%swap3A_72, %swap3A_73], %swap3A_76 {strides = array<i32>} : memref<128x128xf32, #tpu.memory_space<vmem>>, vector<1x16xf32>,
      %broadcast_in_dim3A_77 = arith.constant 0.000000e+00 : f32
      %broadcast_in_dim3A_78 = vector.broadcast %broadcast_in_dim3A_77 : f32 to vector<16xf32>
      %swap3A_79 = arith.index_cast %add3A_29 : i32 to index
      %swap3A_80 = arith.constant 112 : index
      %swap3A_81 = tpu.vector_load %arg8[%swap3A_79, %swap3A_80] {strides = array<i32>} : memref<128x128xf32, #tpu.memory_space<vmem>>, vector<1x16xf32>,
      %swap3A_82 = vector.shape_cast %swap3A_81 : vector<1x16xf32> to vector<16xf32>
      %swap3A_83 = vector.shape_cast %broadcast_in_dim3A_78 : vector<16xf32> to vector<1x16xf32>
      tpu.vector_store %arg8[%swap3A_79, %swap3A_80], %swap3A_83 {strides = array<i32>} : memref<128x128xf32, #tpu.memory_space<vmem>>, vector<1x16xf32>,
    }
    %scan3A_8 = arith.constant 128 : i32
    %add3A_9 = arith.constant 0 : i32
    %add3A_10 = arith.addi %mul3A_4, %add3A_9 : i32
    "tpu.region"() ({
      %run_scoped3A = tpu.sem_alloc : memref<!tpu.dma_semaphore, #tpu.memory_space<semaphore_mem>>
      %dma_start3A = arith.constant 0 : i32
      %dma_start3A_25 = tpu.memref_slice %arg9[%add3A_10, %dma_start3A] : memref<10112x128xf32, #tpu.memory_space<vmem_shared>> -> memref<128x128xf32, #tpu.memory_space<vmem_shared>>
      %dma_start3A_26 = arith.constant 0 : i32
      %dma_start3A_27 = tpu.memref_slice %arg9[%add3A_10, %dma_start3A_26] : memref<10112x128xf32, #tpu.memory_space<vmem_shared>> -> memref<128x128xf32, #tpu.memory_space<vmem_shared>>
      tpu.enqueue_dma source(%arg8 : memref<128x128xf32, #tpu.memory_space<vmem>>) target(%dma_start3A_27 : memref<128x128xf32, #tpu.memory_space<vmem_shared>>) target_semaphore(%run_scoped3A : memref<!tpu.dma_semaphore, #tpu.memory_space<semaphore_mem>>)
      %dma_wait3A = arith.constant 0 : i32
      %dma_wait3A_28 = tpu.memref_slice %arg9[%add3A_10, %dma_wait3A] : memref<10112x128xf32, #tpu.memory_space<vmem_shared>> -> memref<128x128xf32, #tpu.memory_space<vmem_shared>>
      %dma_wait3A_29 = arith.constant 0 : i32
      %dma_wait3A_30 = tpu.memref_slice %arg9[%add3A_10, %dma_wait3A_29] : memref<10112x128xf32, #tpu.memory_space<vmem_shared>> -> memref<128x128xf32, #tpu.memory_space<vmem_shared>>
      tpu.wait_dma2 semaphore(%run_scoped3A : memref<!tpu.dma_semaphore, #tpu.memory_space<semaphore_mem>>) src(%arg8 : memref<128x128xf32, #tpu.memory_space<vmem>>) dst(%dma_wait3A_30 : memref<128x128xf32, #tpu.memory_space<vmem_shared>>)
      tpu.yield
    }) : () -> ()
    %add3A_11 = arith.constant 128 : i32
    %add3A_12 = arith.addi %mul3A_4, %add3A_11 : i32
    "tpu.region"() ({
      %run_scoped3A = tpu.sem_alloc : memref<!tpu.dma_semaphore, #tpu.memory_space<semaphore_mem>>
      %dma_start3A = arith.constant 0 : i32
      %dma_start3A_25 = tpu.memref_slice %arg9[%add3A_12, %dma_start3A] : memref<10112x128xf32, #tpu.memory_space<vmem_shared>> -> memref<128x128xf32, #tpu.memory_space<vmem_shared>>
      %dma_start3A_26 = arith.constant 0 : i32
      %dma_start3A_27 = tpu.memref_slice %arg9[%add3A_12, %dma_start3A_26] : memref<10112x128xf32, #tpu.memory_space<vmem_shared>> -> memref<128x128xf32, #tpu.memory_space<vmem_shared>>
      tpu.enqueue_dma source(%arg8 : memref<128x128xf32, #tpu.memory_space<vmem>>) target(%dma_start3A_27 : memref<128x128xf32, #tpu.memory_space<vmem_shared>>) target_semaphore(%run_scoped3A : memref<!tpu.dma_semaphore, #tpu.memory_space<semaphore_mem>>)
      %dma_wait3A = arith.constant 0 : i32
      %dma_wait3A_28 = tpu.memref_slice %arg9[%add3A_12, %dma_wait3A] : memref<10112x128xf32, #tpu.memory_space<vmem_shared>> -> memref<128x128xf32, #tpu.memory_space<vmem_shared>>
      %dma_wait3A_29 = arith.constant 0 : i32
      %dma_wait3A_30 = tpu.memref_slice %arg9[%add3A_12, %dma_wait3A_29] : memref<10112x128xf32, #tpu.memory_space<vmem_shared>> -> memref<128x128xf32, #tpu.memory_space<vmem_shared>>
      tpu.wait_dma2 semaphore(%run_scoped3A : memref<!tpu.dma_semaphore, #tpu.memory_space<semaphore_mem>>) src(%arg8 : memref<128x128xf32, #tpu.memory_space<vmem>>) dst(%dma_wait3A_30 : memref<128x128xf32, #tpu.memory_space<vmem_shared>>)
      tpu.yield
    }) : () -> ()
    %add3A_13 = arith.constant 256 : i32
    %add3A_14 = arith.addi %mul3A_4, %add3A_13 : i32
    "tpu.region"() ({
      %run_scoped3A = tpu.sem_alloc : memref<!tpu.dma_semaphore, #tpu.memory_space<semaphore_mem>>
      %dma_start3A = arith.constant 0 : i32
      %dma_start3A_25 = tpu.memref_slice %arg9[%add3A_14, %dma_start3A] : memref<10112x128xf32, #tpu.memory_space<vmem_shared>> -> memref<128x128xf32, #tpu.memory_space<vmem_shared>>
      %dma_start3A_26 = arith.constant 0 : i32
      %dma_start3A_27 = tpu.memref_slice %arg9[%add3A_14, %dma_start3A_26] : memref<10112x128xf32, #tpu.memory_space<vmem_shared>> -> memref<128x128xf32, #tpu.memory_space<vmem_shared>>
      tpu.enqueue_dma source(%arg8 : memref<128x128xf32, #tpu.memory_space<vmem>>) target(%dma_start3A_27 : memref<128x128xf32, #tpu.memory_space<vmem_shared>>) target_semaphore(%run_scoped3A : memref<!tpu.dma_semaphore, #tpu.memory_space<semaphore_mem>>)
      %dma_wait3A = arith.constant 0 : i32
      %dma_wait3A_28 = tpu.memref_slice %arg9[%add3A_14, %dma_wait3A] : memref<10112x128xf32, #tpu.memory_space<vmem_shared>> -> memref<128x128xf32, #tpu.memory_space<vmem_shared>>
      %dma_wait3A_29 = arith.constant 0 : i32
      %dma_wait3A_30 = tpu.memref_slice %arg9[%add3A_14, %dma_wait3A_29] : memref<10112x128xf32, #tpu.memory_space<vmem_shared>> -> memref<128x128xf32, #tpu.memory_space<vmem_shared>>
      tpu.wait_dma2 semaphore(%run_scoped3A : memref<!tpu.dma_semaphore, #tpu.memory_space<semaphore_mem>>) src(%arg8 : memref<128x128xf32, #tpu.memory_space<vmem>>) dst(%dma_wait3A_30 : memref<128x128xf32, #tpu.memory_space<vmem_shared>>)
      tpu.yield
    }) : () -> ()
    %add3A_15 = arith.constant 384 : i32
    %add3A_16 = arith.addi %mul3A_4, %add3A_15 : i32
    "tpu.region"() ({
      %run_scoped3A = tpu.sem_alloc : memref<!tpu.dma_semaphore, #tpu.memory_space<semaphore_mem>>
      %dma_start3A = arith.constant 0 : i32
      %dma_start3A_25 = tpu.memref_slice %arg9[%add3A_16, %dma_start3A] : memref<10112x128xf32, #tpu.memory_space<vmem_shared>> -> memref<128x128xf32, #tpu.memory_space<vmem_shared>>
      %dma_start3A_26 = arith.constant 0 : i32
      %dma_start3A_27 = tpu.memref_slice %arg9[%add3A_16, %dma_start3A_26] : memref<10112x128xf32, #tpu.memory_space<vmem_shared>> -> memref<128x128xf32, #tpu.memory_space<vmem_shared>>
      tpu.enqueue_dma source(%arg8 : memref<128x128xf32, #tpu.memory_space<vmem>>) target(%dma_start3A_27 : memref<128x128xf32, #tpu.memory_space<vmem_shared>>) target_semaphore(%run_scoped3A : memref<!tpu.dma_semaphore, #tpu.memory_space<semaphore_mem>>)
      %dma_wait3A = arith.constant 0 : i32
      %dma_wait3A_28 = tpu.memref_slice %arg9[%add3A_16, %dma_wait3A] : memref<10112x128xf32, #tpu.memory_space<vmem_shared>> -> memref<128x128xf32, #tpu.memory_space<vmem_shared>>
      %dma_wait3A_29 = arith.constant 0 : i32
      %dma_wait3A_30 = tpu.memref_slice %arg9[%add3A_16, %dma_wait3A_29] : memref<10112x128xf32, #tpu.memory_space<vmem_shared>> -> memref<128x128xf32, #tpu.memory_space<vmem_shared>>
      tpu.wait_dma2 semaphore(%run_scoped3A : memref<!tpu.dma_semaphore, #tpu.memory_space<semaphore_mem>>) src(%arg8 : memref<128x128xf32, #tpu.memory_space<vmem>>) dst(%dma_wait3A_30 : memref<128x128xf32, #tpu.memory_space<vmem_shared>>)
      tpu.yield
    }) : () -> ()
    %add3A_17 = arith.constant 512 : i32
    %add3A_18 = arith.addi %mul3A_4, %add3A_17 : i32
    "tpu.region"() ({
      %run_scoped3A = tpu.sem_alloc : memref<!tpu.dma_semaphore, #tpu.memory_space<semaphore_mem>>
      %dma_start3A = arith.constant 0 : i32
      %dma_start3A_25 = arith.constant 0 : i32
      %dma_start3A_26 = tpu.memref_slice %arg8[%dma_start3A, %dma_start3A_25] : memref<128x128xf32, #tpu.memory_space<vmem>> -> memref<120x128xf32, #tpu.memory_space<vmem>>
      %dma_start3A_27 = arith.constant 0 : i32
      %dma_start3A_28 = tpu.memref_slice %arg9[%add3A_18, %dma_start3A_27] : memref<10112x128xf32, #tpu.memory_space<vmem_shared>> -> memref<120x128xf32, #tpu.memory_space<vmem_shared>>
      %dma_start3A_29 = arith.constant 0 : i32
      %dma_start3A_30 = tpu.memref_slice %arg9[%add3A_18, %dma_start3A_29] : memref<10112x128xf32, #tpu.memory_space<vmem_shared>> -> memref<120x128xf32, #tpu.memory_space<vmem_shared>>
      %dma_start3A_31 = arith.constant 0 : i32
      %dma_start3A_32 = arith.constant 0 : i32
      %dma_start3A_33 = tpu.memref_slice %arg8[%dma_start3A_31, %dma_start3A_32] : memref<128x128xf32, #tpu.memory_space<vmem>> -> memref<120x128xf32, #tpu.memory_space<vmem>>
      tpu.enqueue_dma source(%dma_start3A_33 : memref<120x128xf32, #tpu.memory_space<vmem>>) target(%dma_start3A_30 : memref<120x128xf32, #tpu.memory_space<vmem_shared>>) target_semaphore(%run_scoped3A : memref<!tpu.dma_semaphore, #tpu.memory_space<semaphore_mem>>)
      %dma_wait3A = arith.constant 0 : i32
      %dma_wait3A_34 = arith.constant 0 : i32
      %dma_wait3A_35 = tpu.memref_slice %arg8[%dma_wait3A, %dma_wait3A_34] : memref<128x128xf32, #tpu.memory_space<vmem>> -> memref<120x128xf32, #tpu.memory_space<vmem>>
      %dma_wait3A_36 = arith.constant 0 : i32
      %dma_wait3A_37 = tpu.memref_slice %arg9[%add3A_18, %dma_wait3A_36] : memref<10112x128xf32, #tpu.memory_space<vmem_shared>> -> memref<120x128xf32, #tpu.memory_space<vmem_shared>>
      %dma_wait3A_38 = arith.constant 0 : i32
      %dma_wait3A_39 = tpu.memref_slice %arg9[%add3A_18, %dma_wait3A_38] : memref<10112x128xf32, #tpu.memory_space<vmem_shared>> -> memref<120x128xf32, #tpu.memory_space<vmem_shared>>
      %dma_wait3A_40 = arith.constant 0 : i32
      %dma_wait3A_41 = arith.constant 0 : i32
      %dma_wait3A_42 = tpu.memref_slice %arg8[%dma_wait3A_40, %dma_wait3A_41] : memref<128x128xf32, #tpu.memory_space<vmem>> -> memref<120x128xf32, #tpu.memory_space<vmem>>
      tpu.wait_dma2 semaphore(%run_scoped3A : memref<!tpu.dma_semaphore, #tpu.memory_space<semaphore_mem>>) src(%dma_wait3A_42 : memref<120x128xf32, #tpu.memory_space<vmem>>) dst(%dma_wait3A_39 : memref<120x128xf32, #tpu.memory_space<vmem_shared>>)
      tpu.yield
    }) : () -> ()
    %barrier3A = arith.constant 0 : index
    tpu.barrier barrier_id(%barrier3A)
    %scan3A_19 = arith.constant 0 : i32
    %scan3A_20 = arith.constant 79 : i32
    %scan3A_21 = arith.addi %scan3A_19, %scan3A_20 : i32
    %scan3A_22 = arith.constant 1 : i32
    scf.for %scan3A_25 = %scan3A_19 to %scan3A_21 step %scan3A_22  : i32 {
      %mul3A_26 = arith.constant 1 : i32
      %mul3A_27 = arith.muli %scan3A_25, %mul3A_26 : i32
      %add3A_28 = arith.constant 0 : i32
      %add3A_29 = arith.addi %add3A_28, %mul3A_27 : i32
      %mul3A_30 = arith.constant 128 : i32
      %mul3A_31 = arith.muli %add3A_29, %mul3A_30 : i32
      %add3A_32 = arith.addi %mul3A_2, %mul3A_31 : i32
      "tpu.region"() ({
        %run_scoped3A = tpu.sem_alloc : memref<!tpu.dma_semaphore, #tpu.memory_space<semaphore_mem>>
        %dma_start3A_37 = tpu.memref_slice %arg3[%add3A_32] : memref<323584xi32, #tpu.memory_space<hbm>> -> memref<128xi32, #tpu.memory_space<hbm>>
        %dma_start3A_38 = tpu.memref_slice %arg3[%add3A_32] : memref<323584xi32, #tpu.memory_space<hbm>> -> memref<128xi32, #tpu.memory_space<hbm>>
        tpu.enqueue_dma source(%dma_start3A_38 : memref<128xi32, #tpu.memory_space<hbm>>) target(%arg6 : memref<128xi32, #tpu.memory_space<vmem>>) target_semaphore(%run_scoped3A : memref<!tpu.dma_semaphore, #tpu.memory_space<semaphore_mem>>)
        %dma_wait3A_39 = tpu.memref_slice %arg3[%add3A_32] : memref<323584xi32, #tpu.memory_space<hbm>> -> memref<128xi32, #tpu.memory_space<hbm>>
        %dma_wait3A_40 = tpu.memref_slice %arg3[%add3A_32] : memref<323584xi32, #tpu.memory_space<hbm>> -> memref<128xi32, #tpu.memory_space<hbm>>
        tpu.wait_dma2 semaphore(%run_scoped3A : memref<!tpu.dma_semaphore, #tpu.memory_space<semaphore_mem>>) src(%dma_wait3A_40 : memref<128xi32, #tpu.memory_space<hbm>>) dst(%arg6 : memref<128xi32, #tpu.memory_space<vmem>>)
        tpu.yield
      }) : () -> ()
      "tpu.region"() ({
        %run_scoped3A = tpu.sem_alloc : memref<!tpu.dma_semaphore, #tpu.memory_space<semaphore_mem>>
        %dma_start3A_37 = tpu.memref_slice %arg4[%add3A_32] : memref<323584xi32, #tpu.memory_space<hbm>> -> memref<128xi32, #tpu.memory_space<hbm>>
        %dma_start3A_38 = tpu.memref_slice %arg4[%add3A_32] : memref<323584xi32, #tpu.memory_space<hbm>> -> memref<128xi32, #tpu.memory_space<hbm>>
        tpu.enqueue_dma source(%dma_start3A_38 : memref<128xi32, #tpu.memory_space<hbm>>) target(%arg7 : memref<128xi32, #tpu.memory_space<vmem>>) target_semaphore(%run_scoped3A : memref<!tpu.dma_semaphore, #tpu.memory_space<semaphore_mem>>)
        %dma_wait3A_39 = tpu.memref_slice %arg4[%add3A_32] : memref<323584xi32, #tpu.memory_space<hbm>> -> memref<128xi32, #tpu.memory_space<hbm>>
        %dma_wait3A_40 = tpu.memref_slice %arg4[%add3A_32] : memref<323584xi32, #tpu.memory_space<hbm>> -> memref<128xi32, #tpu.memory_space<hbm>>
        tpu.wait_dma2 semaphore(%run_scoped3A : memref<!tpu.dma_semaphore, #tpu.memory_space<semaphore_mem>>) src(%dma_wait3A_40 : memref<128xi32, #tpu.memory_space<hbm>>) dst(%arg7 : memref<128xi32, #tpu.memory_space<vmem>>)
        tpu.yield
      }) : () -> ()
      %dma_start3A = arith.constant 0 : i32
      %dma_start3A_33 = arith.constant 0 : i32
      %dma_start3A_34 = tpu.memref_slice %arg2[%dma_start3A, %dma_start3A_33] : memref<10000x128xf32, #tpu.memory_space<hbm>> -> memref<10000x128xf32, #tpu.memory_space<hbm>>
      tpu.enqueue_indirect_dma source(%dma_start3A_34 : memref<10000x128xf32, #tpu.memory_space<hbm>>) target(%arg8 : memref<128x128xf32, #tpu.memory_space<vmem>>) offsets(%arg6 : memref<128xi32, #tpu.memory_space<vmem>>) semaphore(%arg10 : memref<!tpu.dma_semaphore, #tpu.memory_space<semaphore_mem>>)
      %dma_wait3A = arith.constant 0 : i32
      %dma_wait3A_35 = arith.constant 0 : i32
      %dma_wait3A_36 = tpu.memref_slice %arg2[%dma_wait3A, %dma_wait3A_35] : memref<10000x128xf32, #tpu.memory_space<hbm>> -> memref<10000x128xf32, #tpu.memory_space<hbm>>
      tpu.wait_indirect_dma semaphore(%arg10 : memref<!tpu.dma_semaphore, #tpu.memory_space<semaphore_mem>>) src(%dma_wait3A_36 : memref<10000x128xf32, #tpu.memory_space<hbm>>) dst(%arg8 : memref<128x128xf32, #tpu.memory_space<vmem>>)
      "tpu.region"() ({
        %run_scoped3A = tpu.sem_alloc : memref<!tpu.dma_semaphore, #tpu.memory_space<semaphore_mem>>
        %dma_start3A_37 = arith.constant 0 : i32
        %dma_start3A_38 = arith.constant 0 : i32
        %dma_start3A_39 = tpu.memref_slice %arg9[%dma_start3A_37, %dma_start3A_38] : memref<10112x128xf32, #tpu.memory_space<vmem_shared>> -> memref<10112x128xf32, #tpu.memory_space<vmem_shared>>
        tpu.enqueue_indirect_dma source(%arg8 : memref<128x128xf32, #tpu.memory_space<vmem>>) target(%dma_start3A_39 : memref<10112x128xf32, #tpu.memory_space<vmem_shared>>) offsets(%arg7 : memref<128xi32, #tpu.memory_space<vmem>>) semaphore(%run_scoped3A : memref<!tpu.dma_semaphore, #tpu.memory_space<semaphore_mem>>) {add = true}
        %dma_wait3A_40 = arith.constant 0 : i32
        %dma_wait3A_41 = arith.constant 0 : i32
        %dma_wait3A_42 = tpu.memref_slice %arg9[%dma_wait3A_40, %dma_wait3A_41] : memref<10112x128xf32, #tpu.memory_space<vmem_shared>> -> memref<10112x128xf32, #tpu.memory_space<vmem_shared>>
        tpu.wait_indirect_dma semaphore(%run_scoped3A : memref<!tpu.dma_semaphore, #tpu.memory_space<semaphore_mem>>) src(%arg8 : memref<128x128xf32, #tpu.memory_space<vmem>>) dst(%dma_wait3A_42 : memref<10112x128xf32, #tpu.memory_space<vmem_shared>>)
        tpu.yield
      }) : () -> ()
    }
    %scan3A_23 = arith.constant 79 : i32
    %barrier3A_24 = arith.constant 0 : index
    tpu.barrier barrier_id(%barrier3A_24)
    "tpu.region"() ({
      %run_scoped3A = tpu.sem_alloc : memref<!tpu.dma_semaphore, #tpu.memory_space<semaphore_mem>>
      %dma_start3A = arith.constant 0 : i32
      %dma_start3A_25 = tpu.memref_slice %arg5[%arg0, %mul3A_4, %dma_start3A] : memref<2x10112x128xf32, #tpu.memory_space<hbm>> -> memref<1x632x128xf32, #tpu.memory_space<hbm>>
      %dma_start3A_26 = tpu.memref_squeeze %dma_start3A_25 : memref<1x632x128xf32, #tpu.memory_space<hbm>> -> memref<632x128xf32, #tpu.memory_space<hbm>>
      %dma_start3A_27 = arith.constant 0 : i32
      %dma_start3A_28 = tpu.memref_slice %arg9[%mul3A_4, %dma_start3A_27] : memref<10112x128xf32, #tpu.memory_space<vmem_shared>> -> memref<632x128xf32, #tpu.memory_space<vmem_shared>>
      tpu.enqueue_dma source(%dma_start3A_28 : memref<632x128xf32, #tpu.memory_space<vmem_shared>>) target(%dma_start3A_26 : memref<632x128xf32, #tpu.memory_space<hbm>>) target_semaphore(%run_scoped3A : memref<!tpu.dma_semaphore, #tpu.memory_space<semaphore_mem>>)
      %dma_wait3A = arith.constant 0 : i32
      %dma_wait3A_29 = tpu.memref_slice %arg5[%arg0, %mul3A_4, %dma_wait3A] : memref<2x10112x128xf32, #tpu.memory_space<hbm>> -> memref<1x632x128xf32, #tpu.memory_space<hbm>>
      %dma_wait3A_30 = tpu.memref_squeeze %dma_wait3A_29 : memref<1x632x128xf32, #tpu.memory_space<hbm>> -> memref<632x128xf32, #tpu.memory_space<hbm>>
      %dma_wait3A_31 = arith.constant 0 : i32
      %dma_wait3A_32 = tpu.memref_slice %arg9[%mul3A_4, %dma_wait3A_31] : memref<10112x128xf32, #tpu.memory_space<vmem_shared>> -> memref<632x128xf32, #tpu.memory_space<vmem_shared>>
      tpu.wait_dma2 semaphore(%run_scoped3A : memref<!tpu.dma_semaphore, #tpu.memory_space<semaphore_mem>>) src(%dma_wait3A_32 : memref<632x128xf32, #tpu.memory_space<vmem_shared>>) dst(%dma_wait3A_30 : memref<632x128xf32, #tpu.memory_space<hbm>>)
      tpu.yield
    }) : () -> ()
    return
  }
}

module attributes {stable_mosaic.version = 14 : i64} {
  func.func @_mm_body(%arg0: memref<10000x128xf32, #tpu.memory_space<vmem>>, %arg1: memref<128x128xf32, #tpu.memory_space<vmem>>, %arg2: memref<10000x128xf32, #tpu.memory_space<vmem>>) attributes {dimension_semantics = [], scalar_prefetch = 0 : i64, scratch_operands = 0 : i64, tpu.core_type = #tpu.core_type<tc>} {
    %get3A = arith.constant 0 : index
    %get3A_0 = arith.constant 0 : index
    %get3A_1 = vector.load %arg0[%get3A, %get3A_0] : memref<10000x128xf32, #tpu.memory_space<vmem>>, vector<10000x128xf32>
    %get3A_2 = arith.constant 0 : index
    %get3A_3 = arith.constant 0 : index
    %get3A_4 = vector.load %arg1[%get3A_2, %get3A_3] : memref<128x128xf32, #tpu.memory_space<vmem>>, vector<128x128xf32>
    %dot_general3A = arith.constant dense<0.000000e+00> : vector<10000x128xf32>
    %dot_general3A_5 = tpu.matmul %get3A_1, %get3A_4, %dot_general3A {dimension_numbers = #tpu.dot_dimension_numbers<[1], [0], [0], [1], [0, 0, 1, 1], [], []>, transpose_lhs_hint = false} : vector<10000x128xf32>, vector<128x128xf32>, vector<10000x128xf32> -> vector<10000x128xf32>
    %swap3A = arith.constant 0 : index
    %swap3A_6 = arith.constant 0 : index
    %swap3A_7 = vector.load %arg2[%swap3A, %swap3A_6] : memref<10000x128xf32, #tpu.memory_space<vmem>>, vector<10000x128xf32>
    tpu.vector_store %arg2[%swap3A, %swap3A_6], %dot_general3A_5 {strides = array<i32>} : memref<10000x128xf32, #tpu.memory_space<vmem>>, vector<10000x128xf32>,
    return
  }
}

module attributes {stable_mosaic.version = 14 : i64} {
  func.func @_degred_body(%arg0: memref<32x632x128xf32, #tpu.memory_space<vmem>>, %arg1: memref<632x16xf32, #tpu.memory_space<vmem>>) attributes {dimension_semantics = [], scalar_prefetch = 0 : i64, scratch_operands = 0 : i64, tpu.core_type = #tpu.core_type<tc>} {
    %get3A = arith.constant 0 : index
    %get3A_0 = arith.constant 0 : index
    %get3A_1 = arith.constant 0 : index
    %get3A_2 = vector.load %arg0[%get3A, %get3A_0, %get3A_1] : memref<32x632x128xf32, #tpu.memory_space<vmem>>, vector<1x632x128xf32>
    %get3A_3 = vector.shape_cast %get3A_2 : vector<1x632x128xf32> to vector<632x128xf32>
    %get3A_4 = arith.constant 1 : index
    %get3A_5 = arith.constant 0 : index
    %get3A_6 = arith.constant 0 : index
    %get3A_7 = vector.load %arg0[%get3A_4, %get3A_5, %get3A_6] : memref<32x632x128xf32, #tpu.memory_space<vmem>>, vector<1x632x128xf32>
    %get3A_8 = vector.shape_cast %get3A_7 : vector<1x632x128xf32> to vector<632x128xf32>
    %add3A = arith.addf %get3A_3, %get3A_8 : vector<632x128xf32>
    %get3A_9 = arith.constant 2 : index
    %get3A_10 = arith.constant 0 : index
    %get3A_11 = arith.constant 0 : index
    %get3A_12 = vector.load %arg0[%get3A_9, %get3A_10, %get3A_11] : memref<32x632x128xf32, #tpu.memory_space<vmem>>, vector<1x632x128xf32>
    %get3A_13 = vector.shape_cast %get3A_12 : vector<1x632x128xf32> to vector<632x128xf32>
    %add3A_14 = arith.addf %add3A, %get3A_13 : vector<632x128xf32>
    %get3A_15 = arith.constant 3 : index
    %get3A_16 = arith.constant 0 : index
    %get3A_17 = arith.constant 0 : index
    %get3A_18 = vector.load %arg0[%get3A_15, %get3A_16, %get3A_17] : memref<32x632x128xf32, #tpu.memory_space<vmem>>, vector<1x632x128xf32>
    %get3A_19 = vector.shape_cast %get3A_18 : vector<1x632x128xf32> to vector<632x128xf32>
    %add3A_20 = arith.addf %add3A_14, %get3A_19 : vector<632x128xf32>
    %get3A_21 = arith.constant 4 : index
    %get3A_22 = arith.constant 0 : index
    %get3A_23 = arith.constant 0 : index
    %get3A_24 = vector.load %arg0[%get3A_21, %get3A_22, %get3A_23] : memref<32x632x128xf32, #tpu.memory_space<vmem>>, vector<1x632x128xf32>
    %get3A_25 = vector.shape_cast %get3A_24 : vector<1x632x128xf32> to vector<632x128xf32>
    %add3A_26 = arith.addf %add3A_20, %get3A_25 : vector<632x128xf32>
    %get3A_27 = arith.constant 5 : index
    %get3A_28 = arith.constant 0 : index
    %get3A_29 = arith.constant 0 : index
    %get3A_30 = vector.load %arg0[%get3A_27, %get3A_28, %get3A_29] : memref<32x632x128xf32, #tpu.memory_space<vmem>>, vector<1x632x128xf32>
    %get3A_31 = vector.shape_cast %get3A_30 : vector<1x632x128xf32> to vector<632x128xf32>
    %add3A_32 = arith.addf %add3A_26, %get3A_31 : vector<632x128xf32>
    %get3A_33 = arith.constant 6 : index
    %get3A_34 = arith.constant 0 : index
    %get3A_35 = arith.constant 0 : index
    %get3A_36 = vector.load %arg0[%get3A_33, %get3A_34, %get3A_35] : memref<32x632x128xf32, #tpu.memory_space<vmem>>, vector<1x632x128xf32>
    %get3A_37 = vector.shape_cast %get3A_36 : vector<1x632x128xf32> to vector<632x128xf32>
    %add3A_38 = arith.addf %add3A_32, %get3A_37 : vector<632x128xf32>
    %get3A_39 = arith.constant 7 : index
    %get3A_40 = arith.constant 0 : index
    %get3A_41 = arith.constant 0 : index
    %get3A_42 = vector.load %arg0[%get3A_39, %get3A_40, %get3A_41] : memref<32x632x128xf32, #tpu.memory_space<vmem>>, vector<1x632x128xf32>
    %get3A_43 = vector.shape_cast %get3A_42 : vector<1x632x128xf32> to vector<632x128xf32>
    %add3A_44 = arith.addf %add3A_38, %get3A_43 : vector<632x128xf32>
    %get3A_45 = arith.constant 8 : index
    %get3A_46 = arith.constant 0 : index
    %get3A_47 = arith.constant 0 : index
    %get3A_48 = vector.load %arg0[%get3A_45, %get3A_46, %get3A_47] : memref<32x632x128xf32, #tpu.memory_space<vmem>>, vector<1x632x128xf32>
    %get3A_49 = vector.shape_cast %get3A_48 : vector<1x632x128xf32> to vector<632x128xf32>
    %add3A_50 = arith.addf %add3A_44, %get3A_49 : vector<632x128xf32>
    %get3A_51 = arith.constant 9 : index
    %get3A_52 = arith.constant 0 : index
    %get3A_53 = arith.constant 0 : index
    %get3A_54 = vector.load %arg0[%get3A_51, %get3A_52, %get3A_53] : memref<32x632x128xf32, #tpu.memory_space<vmem>>, vector<1x632x128xf32>
    %get3A_55 = vector.shape_cast %get3A_54 : vector<1x632x128xf32> to vector<632x128xf32>
    %add3A_56 = arith.addf %add3A_50, %get3A_55 : vector<632x128xf32>
    %get3A_57 = arith.constant 10 : index
    %get3A_58 = arith.constant 0 : index
    %get3A_59 = arith.constant 0 : index
    %get3A_60 = vector.load %arg0[%get3A_57, %get3A_58, %get3A_59] : memref<32x632x128xf32, #tpu.memory_space<vmem>>, vector<1x632x128xf32>
    %get3A_61 = vector.shape_cast %get3A_60 : vector<1x632x128xf32> to vector<632x128xf32>
    %add3A_62 = arith.addf %add3A_56, %get3A_61 : vector<632x128xf32>
    %get3A_63 = arith.constant 11 : index
    %get3A_64 = arith.constant 0 : index
    %get3A_65 = arith.constant 0 : index
    %get3A_66 = vector.load %arg0[%get3A_63, %get3A_64, %get3A_65] : memref<32x632x128xf32, #tpu.memory_space<vmem>>, vector<1x632x128xf32>
    %get3A_67 = vector.shape_cast %get3A_66 : vector<1x632x128xf32> to vector<632x128xf32>
    %add3A_68 = arith.addf %add3A_62, %get3A_67 : vector<632x128xf32>
    %get3A_69 = arith.constant 12 : index
    %get3A_70 = arith.constant 0 : index
    %get3A_71 = arith.constant 0 : index
    %get3A_72 = vector.load %arg0[%get3A_69, %get3A_70, %get3A_71] : memref<32x632x128xf32, #tpu.memory_space<vmem>>, vector<1x632x128xf32>
    %get3A_73 = vector.shape_cast %get3A_72 : vector<1x632x128xf32> to vector<632x128xf32>
    %add3A_74 = arith.addf %add3A_68, %get3A_73 : vector<632x128xf32>
    %get3A_75 = arith.constant 13 : index
    %get3A_76 = arith.constant 0 : index
    %get3A_77 = arith.constant 0 : index
    %get3A_78 = vector.load %arg0[%get3A_75, %get3A_76, %get3A_77] : memref<32x632x128xf32, #tpu.memory_space<vmem>>, vector<1x632x128xf32>
    %get3A_79 = vector.shape_cast %get3A_78 : vector<1x632x128xf32> to vector<632x128xf32>
    %add3A_80 = arith.addf %add3A_74, %get3A_79 : vector<632x128xf32>
    %get3A_81 = arith.constant 14 : index
    %get3A_82 = arith.constant 0 : index
    %get3A_83 = arith.constant 0 : index
    %get3A_84 = vector.load %arg0[%get3A_81, %get3A_82, %get3A_83] : memref<32x632x128xf32, #tpu.memory_space<vmem>>, vector<1x632x128xf32>
    %get3A_85 = vector.shape_cast %get3A_84 : vector<1x632x128xf32> to vector<632x128xf32>
    %add3A_86 = arith.addf %add3A_80, %get3A_85 : vector<632x128xf32>
    %get3A_87 = arith.constant 15 : index
    %get3A_88 = arith.constant 0 : index
    %get3A_89 = arith.constant 0 : index
    %get3A_90 = vector.load %arg0[%get3A_87, %get3A_88, %get3A_89] : memref<32x632x128xf32, #tpu.memory_space<vmem>>, vector<1x632x128xf32>
    %get3A_91 = vector.shape_cast %get3A_90 : vector<1x632x128xf32> to vector<632x128xf32>
    %add3A_92 = arith.addf %add3A_86, %get3A_91 : vector<632x128xf32>
    %get3A_93 = arith.constant 16 : index
    %get3A_94 = arith.constant 0 : index
    %get3A_95 = arith.constant 0 : index
    %get3A_96 = vector.load %arg0[%get3A_93, %get3A_94, %get3A_95] : memref<32x632x128xf32, #tpu.memory_space<vmem>>, vector<1x632x128xf32>
    %get3A_97 = vector.shape_cast %get3A_96 : vector<1x632x128xf32> to vector<632x128xf32>
    %add3A_98 = arith.addf %add3A_92, %get3A_97 : vector<632x128xf32>
    %get3A_99 = arith.constant 17 : index
    %get3A_100 = arith.constant 0 : index
    %get3A_101 = arith.constant 0 : index
    %get3A_102 = vector.load %arg0[%get3A_99, %get3A_100, %get3A_101] : memref<32x632x128xf32, #tpu.memory_space<vmem>>, vector<1x632x128xf32>
    %get3A_103 = vector.shape_cast %get3A_102 : vector<1x632x128xf32> to vector<632x128xf32>
    %add3A_104 = arith.addf %add3A_98, %get3A_103 : vector<632x128xf32>
    %get3A_105 = arith.constant 18 : index
    %get3A_106 = arith.constant 0 : index
    %get3A_107 = arith.constant 0 : index
    %get3A_108 = vector.load %arg0[%get3A_105, %get3A_106, %get3A_107] : memref<32x632x128xf32, #tpu.memory_space<vmem>>, vector<1x632x128xf32>
    %get3A_109 = vector.shape_cast %get3A_108 : vector<1x632x128xf32> to vector<632x128xf32>
    %add3A_110 = arith.addf %add3A_104, %get3A_109 : vector<632x128xf32>
    %get3A_111 = arith.constant 19 : index
    %get3A_112 = arith.constant 0 : index
    %get3A_113 = arith.constant 0 : index
    %get3A_114 = vector.load %arg0[%get3A_111, %get3A_112, %get3A_113] : memref<32x632x128xf32, #tpu.memory_space<vmem>>, vector<1x632x128xf32>
    %get3A_115 = vector.shape_cast %get3A_114 : vector<1x632x128xf32> to vector<632x128xf32>
    %add3A_116 = arith.addf %add3A_110, %get3A_115 : vector<632x128xf32>
    %get3A_117 = arith.constant 20 : index
    %get3A_118 = arith.constant 0 : index
    %get3A_119 = arith.constant 0 : index
    %get3A_120 = vector.load %arg0[%get3A_117, %get3A_118, %get3A_119] : memref<32x632x128xf32, #tpu.memory_space<vmem>>, vector<1x632x128xf32>
    %get3A_121 = vector.shape_cast %get3A_120 : vector<1x632x128xf32> to vector<632x128xf32>
    %add3A_122 = arith.addf %add3A_116, %get3A_121 : vector<632x128xf32>
    %get3A_123 = arith.constant 21 : index
    %get3A_124 = arith.constant 0 : index
    %get3A_125 = arith.constant 0 : index
    %get3A_126 = vector.load %arg0[%get3A_123, %get3A_124, %get3A_125] : memref<32x632x128xf32, #tpu.memory_space<vmem>>, vector<1x632x128xf32>
    %get3A_127 = vector.shape_cast %get3A_126 : vector<1x632x128xf32> to vector<632x128xf32>
    %add3A_128 = arith.addf %add3A_122, %get3A_127 : vector<632x128xf32>
    %get3A_129 = arith.constant 22 : index
    %get3A_130 = arith.constant 0 : index
    %get3A_131 = arith.constant 0 : index
    %get3A_132 = vector.load %arg0[%get3A_129, %get3A_130, %get3A_131] : memref<32x632x128xf32, #tpu.memory_space<vmem>>, vector<1x632x128xf32>
    %get3A_133 = vector.shape_cast %get3A_132 : vector<1x632x128xf32> to vector<632x128xf32>
    %add3A_134 = arith.addf %add3A_128, %get3A_133 : vector<632x128xf32>
    %get3A_135 = arith.constant 23 : index
    %get3A_136 = arith.constant 0 : index
    %get3A_137 = arith.constant 0 : index
    %get3A_138 = vector.load %arg0[%get3A_135, %get3A_136, %get3A_137] : memref<32x632x128xf32, #tpu.memory_space<vmem>>, vector<1x632x128xf32>
    %get3A_139 = vector.shape_cast %get3A_138 : vector<1x632x128xf32> to vector<632x128xf32>
    %add3A_140 = arith.addf %add3A_134, %get3A_139 : vector<632x128xf32>
    %get3A_141 = arith.constant 24 : index
    %get3A_142 = arith.constant 0 : index
    %get3A_143 = arith.constant 0 : index
    %get3A_144 = vector.load %arg0[%get3A_141, %get3A_142, %get3A_143] : memref<32x632x128xf32, #tpu.memory_space<vmem>>, vector<1x632x128xf32>
    %get3A_145 = vector.shape_cast %get3A_144 : vector<1x632x128xf32> to vector<632x128xf32>
    %add3A_146 = arith.addf %add3A_140, %get3A_145 : vector<632x128xf32>
    %get3A_147 = arith.constant 25 : index
    %get3A_148 = arith.constant 0 : index
    %get3A_149 = arith.constant 0 : index
    %get3A_150 = vector.load %arg0[%get3A_147, %get3A_148, %get3A_149] : memref<32x632x128xf32, #tpu.memory_space<vmem>>, vector<1x632x128xf32>
    %get3A_151 = vector.shape_cast %get3A_150 : vector<1x632x128xf32> to vector<632x128xf32>
    %add3A_152 = arith.addf %add3A_146, %get3A_151 : vector<632x128xf32>
    %get3A_153 = arith.constant 26 : index
    %get3A_154 = arith.constant 0 : index
    %get3A_155 = arith.constant 0 : index
    %get3A_156 = vector.load %arg0[%get3A_153, %get3A_154, %get3A_155] : memref<32x632x128xf32, #tpu.memory_space<vmem>>, vector<1x632x128xf32>
    %get3A_157 = vector.shape_cast %get3A_156 : vector<1x632x128xf32> to vector<632x128xf32>
    %add3A_158 = arith.addf %add3A_152, %get3A_157 : vector<632x128xf32>
    %get3A_159 = arith.constant 27 : index
    %get3A_160 = arith.constant 0 : index
    %get3A_161 = arith.constant 0 : index
    %get3A_162 = vector.load %arg0[%get3A_159, %get3A_160, %get3A_161] : memref<32x632x128xf32, #tpu.memory_space<vmem>>, vector<1x632x128xf32>
    %get3A_163 = vector.shape_cast %get3A_162 : vector<1x632x128xf32> to vector<632x128xf32>
    %add3A_164 = arith.addf %add3A_158, %get3A_163 : vector<632x128xf32>
    %get3A_165 = arith.constant 28 : index
    %get3A_166 = arith.constant 0 : index
    %get3A_167 = arith.constant 0 : index
    %get3A_168 = vector.load %arg0[%get3A_165, %get3A_166, %get3A_167] : memref<32x632x128xf32, #tpu.memory_space<vmem>>, vector<1x632x128xf32>
    %get3A_169 = vector.shape_cast %get3A_168 : vector<1x632x128xf32> to vector<632x128xf32>
    %add3A_170 = arith.addf %add3A_164, %get3A_169 : vector<632x128xf32>
    %get3A_171 = arith.constant 29 : index
    %get3A_172 = arith.constant 0 : index
    %get3A_173 = arith.constant 0 : index
    %get3A_174 = vector.load %arg0[%get3A_171, %get3A_172, %get3A_173] : memref<32x632x128xf32, #tpu.memory_space<vmem>>, vector<1x632x128xf32>
    %get3A_175 = vector.shape_cast %get3A_174 : vector<1x632x128xf32> to vector<632x128xf32>
    %add3A_176 = arith.addf %add3A_170, %get3A_175 : vector<632x128xf32>
    %get3A_177 = arith.constant 30 : index
    %get3A_178 = arith.constant 0 : index
    %get3A_179 = arith.constant 0 : index
    %get3A_180 = vector.load %arg0[%get3A_177, %get3A_178, %get3A_179] : memref<32x632x128xf32, #tpu.memory_space<vmem>>, vector<1x632x128xf32>
    %get3A_181 = vector.shape_cast %get3A_180 : vector<1x632x128xf32> to vector<632x128xf32>
    %add3A_182 = arith.addf %add3A_176, %get3A_181 : vector<632x128xf32>
    %get3A_183 = arith.constant 31 : index
    %get3A_184 = arith.constant 0 : index
    %get3A_185 = arith.constant 0 : index
    %get3A_186 = vector.load %arg0[%get3A_183, %get3A_184, %get3A_185] : memref<32x632x128xf32, #tpu.memory_space<vmem>>, vector<1x632x128xf32>
    %get3A_187 = vector.shape_cast %get3A_186 : vector<1x632x128xf32> to vector<632x128xf32>
    %add3A_188 = arith.addf %add3A_182, %get3A_187 : vector<632x128xf32>
    %iota3A = tpu.iota {dimensions = array<i32: 0>} : vector<128x16xi32>
    %iota3A_189 = tpu.iota {dimensions = array<i32: 1>} : vector<128x16xi32>
    %jit3A = arith.constant 8 : i32
    %div3A = vector.broadcast %jit3A : i32 to vector<128x16xi32>
    %div3A_190 = arith.divsi %iota3A, %div3A : vector<128x16xi32>
    %sign3A = arith.constant 0 : i32
    %sign3A_191 = vector.broadcast %sign3A : i32 to vector<128x16xi32>
    %sign3A_192 = arith.cmpi sgt, %iota3A, %sign3A_191 : vector<128x16xi32>
    %sign3A_193 = arith.extui %sign3A_192 : vector<128x16xi1> to vector<128x16xi32>
    %sign3A_194 = arith.constant 0 : i32
    %sign3A_195 = vector.broadcast %sign3A_194 : i32 to vector<128x16xi32>
    %sign3A_196 = arith.cmpi slt, %iota3A, %sign3A_195 : vector<128x16xi32>
    %sign3A_197 = arith.extui %sign3A_196 : vector<128x16xi1> to vector<128x16xi32>
    %sign3A_198 = arith.subi %sign3A_193, %sign3A_197 : vector<128x16xi32>
    %sign3A_199 = arith.constant 0 : i32
    %sign3A_200 = arith.cmpi sgt, %jit3A, %sign3A_199 : i32
    %sign3A_201 = arith.extui %sign3A_200 : i1 to i32
    %sign3A_202 = arith.constant 0 : i32
    %sign3A_203 = arith.cmpi slt, %jit3A, %sign3A_202 : i32
    %sign3A_204 = arith.extui %sign3A_203 : i1 to i32
    %sign3A_205 = arith.subi %sign3A_201, %sign3A_204 : i32
    %ne3A = vector.broadcast %sign3A_205 : i32 to vector<128x16xi32>
    %ne3A_206 = arith.cmpi ne, %sign3A_198, %ne3A : vector<128x16xi32>
    %rem3A = vector.broadcast %jit3A : i32 to vector<128x16xi32>
    %rem3A_207 = arith.remsi %iota3A, %rem3A : vector<128x16xi32>
    %ne3A_208 = arith.constant 0 : i32
    %ne3A_209 = vector.broadcast %ne3A_208 : i32 to vector<128x16xi32>
    %ne3A_210 = arith.cmpi ne, %rem3A_207, %ne3A_209 : vector<128x16xi32>
    %and3A = arith.andi %ne3A_206, %ne3A_210 : vector<128x16xi1>
    %sub3A = arith.constant 1 : i32
    %sub3A_211 = vector.broadcast %sub3A : i32 to vector<128x16xi32>
    %sub3A_212 = arith.subi %div3A_190, %sub3A_211 : vector<128x16xi32>
    %select_n3A = arith.select %and3A, %sub3A_212, %div3A_190 : vector<128x16xi1>, vector<128x16xi32>
    %eq3A = arith.cmpi eq, %select_n3A, %iota3A_189 : vector<128x16xi32>
    %convert_element_type3A = arith.extui %eq3A : vector<128x16xi1> to vector<128x16xi32>
    %convert_element_type3A_213 = arith.sitofp %convert_element_type3A : vector<128x16xi32> to vector<128x16xf32>
    %dot_general3A = arith.constant dense<0.000000e+00> : vector<632x16xf32>
    %dot_general3A_214 = tpu.matmul %add3A_188, %convert_element_type3A_213, %dot_general3A {dimension_numbers = #tpu.dot_dimension_numbers<[1], [0], [0], [1], [0, 0, 1, 1], [], []>, transpose_lhs_hint = false} : vector<632x128xf32>, vector<128x16xf32>, vector<632x16xf32> -> vector<632x16xf32>
    %add3A_215 = arith.constant 1.000000e+00 : f32
    %add3A_216 = vector.broadcast %add3A_215 : f32 to vector<632x16xf32>
    %add3A_217 = arith.addf %dot_general3A_214, %add3A_216 : vector<632x16xf32>
    %rsqrt3A = math.rsqrt %add3A_217 : vector<632x16xf32>
    %swap3A = arith.constant 0 : index
    %swap3A_218 = arith.constant 0 : index
    %swap3A_219 = vector.load %arg1[%swap3A, %swap3A_218] : memref<632x16xf32, #tpu.memory_space<vmem>>, vector<632x16xf32>
    tpu.vector_store %arg1[%swap3A, %swap3A_218], %rsqrt3A {strides = array<i32>} : memref<632x16xf32, #tpu.memory_space<vmem>>, vector<632x16xf32>,
    return
  }
}

module attributes {stable_mosaic.version = 14 : i64} {
  func.func @_scale_body(%arg0: memref<10000x128xf32, #tpu.memory_space<vmem>>, %arg1: memref<10000x1xf32, #tpu.memory_space<vmem>>, %arg2: memref<10000x128xf32, #tpu.memory_space<vmem>>) attributes {dimension_semantics = [], scalar_prefetch = 0 : i64, scratch_operands = 0 : i64, tpu.core_type = #tpu.core_type<tc>} {
    %get3A = arith.constant 0 : index
    %get3A_0 = arith.constant 0 : index
    %get3A_1 = vector.load %arg0[%get3A, %get3A_0] : memref<10000x128xf32, #tpu.memory_space<vmem>>, vector<10000x128xf32>
    %get3A_2 = arith.constant 0 : index
    %get3A_3 = arith.constant 0 : index
    %get3A_4 = vector.load %arg1[%get3A_2, %get3A_3] : memref<10000x1xf32, #tpu.memory_space<vmem>>, vector<10000x1xf32>
    %mul3A = vector.broadcast %get3A_4 : vector<10000x1xf32> to vector<10000x128xf32>
    %mul3A_5 = arith.mulf %get3A_1, %mul3A : vector<10000x128xf32>
    %swap3A = arith.constant 0 : index
    %swap3A_6 = arith.constant 0 : index
    %swap3A_7 = vector.load %arg2[%swap3A, %swap3A_6] : memref<10000x128xf32, #tpu.memory_space<vmem>>, vector<10000x128xf32>
    tpu.vector_store %arg2[%swap3A, %swap3A_6], %mul3A_5 {strides = array<i32>} : memref<10000x128xf32, #tpu.memory_space<vmem>>, vector<10000x128xf32>,
    return
  }
}

module attributes {stable_mosaic.version = 14 : i64} {
  func.func @_final_body(%arg0: memref<2x10112x128xf32, #tpu.memory_space<vmem>>, %arg1: memref<10000x128xf32, #tpu.memory_space<vmem>>, %arg2: memref<10000x1xf32, #tpu.memory_space<vmem>>, %arg3: memref<1x128xf32, #tpu.memory_space<vmem>>, %arg4: memref<1x128xf32, #tpu.memory_space<vmem>>, %arg5: memref<1x128xf32, #tpu.memory_space<vmem>>, %arg6: memref<10000x128xf32, #tpu.memory_space<vmem>>) attributes {dimension_semantics = [], scalar_prefetch = 0 : i64, scratch_operands = 0 : i64, tpu.core_type = #tpu.core_type<tc>} {
    %get3A = arith.constant 0 : index
    %get3A_0 = arith.constant 0 : index
    %get3A_1 = arith.constant 0 : index
    %get3A_2 = vector.load %arg0[%get3A, %get3A_0, %get3A_1] : memref<2x10112x128xf32, #tpu.memory_space<vmem>>, vector<1x10000x128xf32>
    %get3A_3 = vector.shape_cast %get3A_2 : vector<1x10000x128xf32> to vector<10000x128xf32>
    %get3A_4 = arith.constant 1 : index
    %get3A_5 = arith.constant 0 : index
    %get3A_6 = arith.constant 0 : index
    %get3A_7 = vector.load %arg0[%get3A_4, %get3A_5, %get3A_6] : memref<2x10112x128xf32, #tpu.memory_space<vmem>>, vector<1x10000x128xf32>
    %get3A_8 = vector.shape_cast %get3A_7 : vector<1x10000x128xf32> to vector<10000x128xf32>
    %add3A = arith.addf %get3A_3, %get3A_8 : vector<10000x128xf32>
    %get3A_9 = arith.constant 0 : index
    %get3A_10 = arith.constant 0 : index
    %get3A_11 = vector.load %arg1[%get3A_9, %get3A_10] : memref<10000x128xf32, #tpu.memory_space<vmem>>, vector<10000x128xf32>
    %add3A_12 = arith.addf %add3A, %get3A_11 : vector<10000x128xf32>
    %get3A_13 = arith.constant 0 : index
    %get3A_14 = arith.constant 0 : index
    %get3A_15 = vector.load %arg2[%get3A_13, %get3A_14] : memref<10000x1xf32, #tpu.memory_space<vmem>>, vector<10000x1xf32>
    %mul3A = vector.broadcast %get3A_15 : vector<10000x1xf32> to vector<10000x128xf32>
    %mul3A_16 = arith.mulf %add3A_12, %mul3A : vector<10000x128xf32>
    %get3A_17 = arith.constant 0 : index
    %get3A_18 = arith.constant 0 : index
    %get3A_19 = vector.load %arg3[%get3A_17, %get3A_18] : memref<1x128xf32, #tpu.memory_space<vmem>>, vector<1x128xf32>
    %add3A_20 = vector.broadcast %get3A_19 : vector<1x128xf32> to vector<10000x128xf32>
    %add3A_21 = arith.addf %mul3A_16, %add3A_20 : vector<10000x128xf32>
    %reduce_sum3A = arith.constant dense<0.000000e+00> : vector<128xf32>
    %reduce_sum3A_22 = vector.multi_reduction <add>, %add3A_21, %reduce_sum3A [0] : vector<10000x128xf32> to vector<128xf32>
    %broadcast_in_dim3A = vector.shape_cast %reduce_sum3A_22 : vector<128xf32> to vector<1x128xf32>
    %div3A = arith.constant 1.000000e+04 : f32
    %div3A_23 = vector.broadcast %div3A : f32 to vector<1x128xf32>
    %div3A_24 = arith.divf %broadcast_in_dim3A, %div3A_23 : vector<1x128xf32>
    %sub3A = vector.broadcast %div3A_24 : vector<1x128xf32> to vector<10000x128xf32>
    %sub3A_25 = arith.subf %add3A_21, %sub3A : vector<10000x128xf32>
    %integer_pow3A = arith.mulf %sub3A_25, %sub3A_25 : vector<10000x128xf32>
    %reduce_sum3A_26 = arith.constant dense<0.000000e+00> : vector<128xf32>
    %reduce_sum3A_27 = vector.multi_reduction <add>, %integer_pow3A, %reduce_sum3A_26 [0] : vector<10000x128xf32> to vector<128xf32>
    %broadcast_in_dim3A_28 = vector.shape_cast %reduce_sum3A_27 : vector<128xf32> to vector<1x128xf32>
    %div3A_29 = arith.constant 1.000000e+04 : f32
    %div3A_30 = vector.broadcast %div3A_29 : f32 to vector<1x128xf32>
    %div3A_31 = arith.divf %broadcast_in_dim3A_28, %div3A_30 : vector<1x128xf32>
    %sub3A_32 = vector.broadcast %div3A_24 : vector<1x128xf32> to vector<10000x128xf32>
    %sub3A_33 = arith.subf %add3A_21, %sub3A_32 : vector<10000x128xf32>
    %add3A_34 = arith.constant 9.99999974E-6 : f32
    %add3A_35 = vector.broadcast %add3A_34 : f32 to vector<1x128xf32>
    %add3A_36 = arith.addf %div3A_31, %add3A_35 : vector<1x128xf32>
    %rsqrt3A = math.rsqrt %add3A_36 : vector<1x128xf32>
    %mul3A_37 = vector.broadcast %rsqrt3A : vector<1x128xf32> to vector<10000x128xf32>
    %mul3A_38 = arith.mulf %sub3A_33, %mul3A_37 : vector<10000x128xf32>
    %get3A_39 = arith.constant 0 : index
    %get3A_40 = arith.constant 0 : index
    %get3A_41 = vector.load %arg4[%get3A_39, %get3A_40] : memref<1x128xf32, #tpu.memory_space<vmem>>, vector<1x128xf32>
    %mul3A_42 = vector.broadcast %get3A_41 : vector<1x128xf32> to vector<10000x128xf32>
    %mul3A_43 = arith.mulf %mul3A_38, %mul3A_42 : vector<10000x128xf32>
    %get3A_44 = arith.constant 0 : index
    %get3A_45 = arith.constant 0 : index
    %get3A_46 = vector.load %arg5[%get3A_44, %get3A_45] : memref<1x128xf32, #tpu.memory_space<vmem>>, vector<1x128xf32>
    %add3A_47 = vector.broadcast %get3A_46 : vector<1x128xf32> to vector<10000x128xf32>
    %add3A_48 = arith.addf %mul3A_43, %add3A_47 : vector<10000x128xf32>
    %max3A = arith.constant 0.000000e+00 : f32
    %max3A_49 = vector.broadcast %max3A : f32 to vector<10000x128xf32>
    %max3A_50 = arith.maximumf %add3A_48, %max3A_49 : vector<10000x128xf32>
    %swap3A = arith.constant 0 : index
    %swap3A_51 = arith.constant 0 : index
    %swap3A_52 = vector.load %arg6[%swap3A, %swap3A_51] : memref<10000x128xf32, #tpu.memory_space<vmem>>, vector<10000x128xf32>
    tpu.vector_store %arg6[%swap3A, %swap3A_51], %max3A_50 {strides = array<i32>} : memref<10000x128xf32, #tpu.memory_space<vmem>>, vector<10000x128xf32>,
    return
  }
}

</mosaic_0001>

<sc_bundles>
// kernel: kernel.11.cloned.1.call-start
scs
__scs_entry_jumppad:
0x0: {  	(pc) =	sbr.rel $0x88, $3  }
0x1: {  	(tag) =	ssettag $0x0;
	lr =	simm.s32 $0x1  }
0x2: {  	[smem:$0x3F9B] =	sst lr;
	_ =	strace $0xD0000000  }
0x3: {  	_ = 	snop  }
0x4: {  	_ = 	snop  }
0x5: {  	_ = 	snop  }
0x6: {  	_ = 	snop  }
0x7: {  	_ = 	snop  }
__scs_overlays_trampoline_lowered:
0x8: {  	[smem:$0x3FAA] =	sst s0  }
0x9: {  	[smem:$0x3FAB] =	sst s1  }
0xa: {  	[smem:$0x3FAC] =	sst s2  }
0xb: {  	[smem:$0x3FAD] =	sst s3  }
0xc: {  	[smem:$0x3FAE] =	sst s4  }
0xd: {  	[smem:$0x3FAF] =	sst s5  }
0xe: {  	[smem:$0x3FB0] =	sst s6  }
0xf: {  	[smem:$0x3FB1] =	sst s7  }
0x10: {  	[smem:$0x3FB2] =	sst s8  }
0x11: {  	[smem:$0x3FB3] =	sst s9;
	s0 =	simm.s32 @!p0 $0x0  }
0x12: {  	s1 =	sld [smem:$0x3F99];
	s0 =	simm.s32 @p0 $0x1  }
0x13: {  	[smem:$0x3FB4] =	sst s0;
	s0 =	simm.s32 @!p1 $0x0  }
0x14: {  	s2 =	sld [smem:$0x3F98];
	s0 =	simm.s32 @p1 $0x1  }
0x15: {  	[smem:$0x3FB5] =	sst s0;
	s0 =	simm.s32 @!p2 $0x0  }
0x16: {  	s3 =	sld [smem:$0x3FDB];
	s0 =	simm.s32 @p2 $0x1  }
0x17: {  	s4 =	simm.s32 $0x1BF5;
	[smem:$0x3FB7] =	sst s0  }
0x18: {  	s0 =	sld [smem:$0x3F9A];
	_ =	swait.ge [sflag:s4], $0x0  }
0x19: {  	s7 =	sld [smem:$0x3F9B]  }
0x1a: {  	s8 =	sadd.s32 $0xFFFFE003, lr  }
0x1b: {  	s9 =	sadd.s32 $0xFFFFFEF7, lr;
	s5 =	simm.s32 $0xFFFFFFFF;
	p2 =	slt.u32 s8, $0xFFFFF086  }
0x1c: {  	p1 =	slt.u32 s9, $0xF7A;
	s5 =	simm.s32 @!p2 $0x0  }
0x1d: {  	s5 =	simm.s32 @p1 $0x1;
	p0 =	seq.s32 s7, s2  }
0x1e: {  	s7 =	smul.u32 @!p0 $0xF7A, s2;
	p2 =	seq.s32 @!p0 s5, $0x0  }
0x1f: {  	s9 =	smul.u32 $0xF7A, s1;
	s8 =	simm.s32 @!p0 $0x1BF5;
	p2 =	por !p2, p0  }
0x20: {  	[sflag:s8] =	ssyncset.s32 @!p0 $0xFFFFF086;
	s6 =	sadd.s32 @!p0 s3, s7;
	s7 =	simm.s32 @!p0 $0x108  }
0x21: {  	s3 =	sadd.s32 s3, s9;
	s6 =	sadd.s32 @!p0 $0x88, s6;
	s7 =	simm.s32 @p2 $0x1082  }
0x22: {  	[simem:s7], [sflag:s8] =	dma.local @!p0 [hbm:s6], $0xF7A  }
0x23: {  	s9 =	sor.u32 $0xD0000000, s2;
	s6 =	simm.s32 $0x108;
	_ =	swait.ge @!p0 [sflag:s8], $0x0  }
0x24: {  	s3 =	sadd.s32 $0x88, s3;
	s6 =	simm.s32 @!p1 $0x1082;
	[sflag:s4] =	ssyncset.s32 $0xFFFFF086  }
0x25: {  	[simem:s6], [sflag:s4] =	dma.local [hbm:s3], $0xF7A  }
0x26: {  	[smem:$0x3F9B] =	sst s1;
	(tag) =	ssettag s2;
	_ =	strace s9  }
0x27: {  	s1 =	sld [smem:$0x3FAB]  }
0x28: {  	s2 =	sld [smem:$0x3FAC]  }
0x29: {  	s4 =	sld [smem:$0x3FAE]  }
0x2a: {  	p0 =	seq.s32 s5, $0x0;
	s5 =	sld [smem:$0x3FAF]  }
0x2b: {  	s6 =	sld [smem:$0x3FB0]  }
0x2c: {  	s7 =	sld [smem:$0x3FB1]  }
0x2d: {  	s3 =	simm.s32 $0x108;
	s8 =	sld [smem:$0x3FB2]  }
0x2e: {  	s3 =	simm.s32 @!p0 $0x1082;
	s9 =	sld [smem:$0x3FB3]  }
0x2f: {  	lr =	sadd.s32 s0, s3;
	s0 =	sld [smem:$0x3FAA]  }
0x30: {  	s3 =	sld [smem:$0x3FAD]  }
0x31: {  	[smem:$0x3FB6] =	sst s10  }
0x32: {  	s10 =	sld [smem:$0x3FB4];
	_ =	sdelay $0x3  }
0x33: {  	p0 =	seq.s32 s10, $0x1;
	s10 =	sld [smem:$0x3FB6];
	_ =	sdelay $0x3  }
0x34: {  	[smem:$0x3FB6] =	sst s10  }
0x35: {  	s10 =	sld [smem:$0x3FB5];
	_ =	sdelay $0x3  }
0x36: {  	p1 =	seq.s32 s10, $0x1;
	s10 =	sld [smem:$0x3FB6];
	_ =	sdelay $0x3  }
0x37: {  	[smem:$0x3FB6] =	sst s10  }
0x38: {  	s10 =	sld [smem:$0x3FB7]  }
0x39: {  	_ = 	snop;
	(pc) =	sbr.ind lr, $3  }
0x3a: {  	_ = 	snop  }
0x3b: {  	_ = 	snop  }
0x3c: {  	p2 =	seq.s32 s10, $0x1;
	s10 =	sld [smem:$0x3FB6]  }
0x3d: {  	_ =	shalt  }
0x3e: {  	_ =	shalt  }
0x3f: {  	_ =	shalt  }
0x40: {  	_ =	shalt  }
0x41: {  	_ =	shalt  }
0x42: {  	_ =	shalt  }
0x43: {  	_ =	shalt  }
0x44: {  	_ =	shalt  }
0x45: {  	_ =	shalt  }
0x46: {  	_ =	shalt  }
0x47: {  	_ =	shalt  }
0x48: {  	_ =	shalt  }
0x49: {  	_ =	shalt  }
0x4a: {  	_ =	shalt  }
0x4b: {  	_ =	shalt  }
0x4c: {  	_ =	shalt  }
0x4d: {  	_ =	shalt  }
0x4e: {  	_ =	shalt  }
0x4f: {  	_ =	shalt  }
0x50: {  	_ =	shalt  }
0x51: {  	_ =	shalt  }
0x52: {  	_ =	shalt  }
0x53: {  	_ =	shalt  }
0x54: {  	_ =	shalt  }
0x55: {  	_ =	shalt  }
0x56: {  	_ =	shalt  }
0x57: {  	_ =	shalt  }
0x58: {  	_ =	shalt  }
0x59: {  	_ =	shalt  }
0x5a: {  	_ =	shalt  }
0x5b: {  	_ =	shalt  }
0x5c: {  	_ =	shalt  }
0x5d: {  	_ =	shalt  }
0x5e: {  	_ =	shalt  }
0x5f: {  	_ =	shalt  }
0x60: {  	_ =	shalt  }
0x61: {  	_ =	shalt  }
0x62: {  	_ =	shalt  }
0x63: {  	_ =	shalt  }
0x64: {  	_ =	shalt  }
0x65: {  	_ =	shalt  }
0x66: {  	_ =	shalt  }
0x67: {  	_ =	shalt  }
0x68: {  	_ =	shalt  }
0x69: {  	_ =	shalt  }
0x6a: {  	_ =	shalt  }
0x6b: {  	_ =	shalt  }
0x6c: {  	_ =	shalt  }
0x6d: {  	_ =	shalt  }
0x6e: {  	_ =	shalt  }
0x6f: {  	_ =	shalt  }
0x70: {  	_ =	shalt  }
0x71: {  	_ =	shalt  }
0x72: {  	_ =	shalt  }
0x73: {  	_ =	shalt  }
0x74: {  	_ =	shalt  }
0x75: {  	_ =	shalt  }
0x76: {  	_ =	shalt  }
0x77: {  	_ =	shalt  }
0x78: {  	_ =	shalt  }
0x79: {  	_ =	shalt  }
0x7a: {  	_ =	shalt  }
0x7b: {  	_ =	shalt  }
0x7c: {  	_ =	shalt  }
0x7d: {  	_ =	shalt  }
0x7e: {  	_ =	shalt  }
0x7f: {  	_ =	shalt  }
0x80: {  	_ =	shalt  }
0x81: {  	_ =	shalt  }
0x82: {  	_ =	shalt  }
0x83: {  	_ =	shalt  }
0x84: {  	_ =	shalt  }
0x85: {  	_ =	shalt  }
0x86: {  	_ =	shalt  }
0x87: {  	_ =	shalt  }
.Lfunc_end0:
.L_simem_size_0:
called_computation.1_lowered:
.L_overlay_start_0:
0x88: {  	s2 =	sld [smem:$0x3FD9]  }
0x89: {  	s3 =	sld [smem:$0x3FFE];
	_ =	sdelay $0x1  }
0x8a: {  	s1 =	srdreg.scid  }
0x8b: {  	s0 =	sand.u32 $0x1, s1  }
0x8c: {  	s17 =	sshll.u32 s0, $0xA;
	s2 =	sadd.s32 s3, s2  }
0x8d: {  	s2 =	sadd.s32 s2, s17  }
0x8e: {  	[smem:$0x3FC2] =	sst s2  }
0x8f: {  	_ = 	snop  }
0x90: {  	s2 =	sld [smem:$0x3FD0];
	(tm) =	ssettm $0x1  }
0x91: {  	s18 =	sld [smem:$0x3FFB];
	_ =	sdelay $0x3  }
0x92: {  	_ =	strace s18  }
0x93: {  	s3 =	sld [smem:$0x3FFC];
	_ =	sdelay $0x3  }
0x94: {  	_ =	strace s3  }
0x95: {  	s3 =	sld [smem:$0x3FFD];
	_ =	sdelay $0x3  }
0x96: {  	_ =	strace s3  }
0x97: {  	_ =	strace $0x8FFFFFFF  }
0x98: {  	s19 =	sld [smem:$0x3FDB];
	_ =	sdelay $0x1  }
0x99: {  	s4 =	simm.s32 $_scs_section_size  }
0x9a: {  	s5 =	simm.s32 $_size__tile_overlayer_lowered;
	s6 =	simm.s32 $_tile_overlayer_lowered  }
0x9b: {  	s22 =	simm.s32 $0x1BFF;
	s21 =	sshll.u32 s6, $0x1;
	s3 =	sadd.s32 s4, s19  }
0x9c: {  	s7 =	simm.s32 $0x0;
	s20 =	sshll.u32 s5, $0x1;
	s5 =	sadd.s32 s21, s3  }
0x9d: {  	[timem:s7], [sflag:s22] =	dma.local [hbm:s5], s20  }
0x9e: {  	_ =	swait.ge [sflag:s22], s20  }
0x9f: {  	s4 =	ssub.s32 $0x0, s20;
	[sflag:s22] =	ssyncset.done $0x0  }
0xa0: {  	[sflag:s22] =	ssyncadd.s32 s4;
	_ =	sdelay $0x1  }
0xa1: {  	s23 =	simm.s32 $0x1B8B  }
0xa2: {  	_ =	swait.ge [sflag:s23], $0x1  }
0xa3: {  	[sflag:s23] =	ssyncset.done $0x0  }
0xa4: {  	s25 =	simm.s32 $0x1B8E;
	s24 =	sld [smem:$0x3FFE];
	[sflag:s23] =	ssyncadd.s32 $0xFFFFFFFF  }
0xa5: {  	s26 =	simm.s32 $execute0_lowered;
	[smem:$0x3FD2] =	sst s25  }
0xa6: {  	s5 =	sshll.u32 s26, $0x1;
	_ =	strace $0x80000049;
	[dreg:$0x1] =	wrdreg $0xFFFFFFFF  }
0xa7: {  	s28 =	simm.s32 $_size_execute0_lowered;
	s3 =	sadd.s32 s3, s5;
	[dreg:$0x0] =	wrdreg $0x0  }
0xa8: {  	s5 =	sshll.u32 s28, $0x1;
	[dreg:$0x2] =	wrdreg s3  }
0xa9: {  	[dreg:$0x3] =	wrdreg s5  }
0xaa: {  	[dreg:$0x4] =	wrdreg $0xC0  }
0xab: {  	_ =	task [dreg:s7], $0x5FFFF  }
0xac: {  	[dreg:$0x1] =	wrdreg $0xFFFFFFFF  }
0xad: {  	[dreg:$0x0] =	wrdreg $0x60  }
0xae: {  	[dreg:$0x2] =	wrdreg s2  }
0xaf: {  	[dreg:$0x3] =	wrdreg s24  }
0xb0: {  	[dreg:$0x4] =	wrdreg $0x41000  }
0xb1: {  	[dreg:$0x5] =	wrdreg $0x9  }
0xb2: {  	_ =	task.clear_ibuf [dreg:s7], $0x6FFFF;
	_ =	strace $0x90000049  }
0xb3: {  	s29 =	simm.s32 $0x9;
	_ =	strace $0x8000004B  }
0xb4: {  	_ =	swait.ge [sflag:s29], $0x1  }
0xb5: {  	[sflag:s29] =	ssyncadd.s32 $0xFFFFFFFF  }
0xb6: {  	_ =	strace $0x9000004B  }
0xb7: {  	_ =	sfence  }
0xb8: {  	s30 =	sld [smem:$0x0];
	_ =	sdelay $0x2  }
0xb9: {  	s31 =	sshll.u32 s1, $0xD;
	s1 =	sshrl.u32 s1, $0x2  }
0xba: {  	s3 =	sand.u32 $0x4000, s31;
	s1 =	sadd.s32 s1, s30  }
0xbb: {  	s0 =	sor.u32 s3, s0;
	s1 =	sshll.u32 s1, $0x11  }
0xbc: {  	s0 =	sor.u32 s1, s0  }
0xbd: {  	s0 =	sadd.s32 $0x8F2B, s0  }
0xbe: {  	[sflag:s0] =	ssyncadd.remote.s32 $0x1  }
0xbf: {  	_ =	sfence.sel $0xFFFF  }
0xc0: {  	[dreg:$0x0] =	wrdreg $0xFFFFFFFF;
	(pc) =	sbr.abs _section_cstart, $3  }
0xc1: {  	[dreg:$0x1] =	wrdreg $0xFFFFFFFF  }
0xc2: {  	_ =	task.clear_ibuf [dreg:s7], $0x2FFFF;
	_ =	strace $0x9FFFFFFF  }
0xc3: {  	(tm) =	ssettm $0x7FFFFFFF  }
tec
execute0_lowered:
.L_overlay_start_1:
0x0: {  	(tag) =	ssettag $0x1  }
0x1: {  	s1 =	rddreg [dreg:$0x0]  }
0x2: {  	s5 =	rddreg [dreg:$0x1]  }
0x3: {  	s0 =	srdreg.scid;
	s3 =	rddreg [dreg:$0x2]  }
0x4: {  	s2 =	rddreg [dreg:$0x3];
	s6 =	sand.u32 $0x1, s0  }
0x5: {  	s0 =	stileid.u32;
	s7 =	smul.u32 $0x13C000, s6  }
0x6: {  	s4 =	simm.s32 $0x0;
	s15 =	simm.s32 $0x2;
	s8 =	smul.u32 $0x13C00, s0  }
0x7: {  	s16 =	simm.s32 $0x80;
	s17 =	simm.s32 $0x1;
	s9 =	smul.u32 $0x4F00, s6  }
0x8: {  	s20 =	simm.s32 $0x0;
	[smem:$0x7FF] =	sst s4;
	s29 =	smul.u32 $0x4F000, s0  }
0x9: {  	_ =	strace $0x8000004A;
	s6 =	ssub.s32 $0x2, s6;
	s18 =	sshll.u32 s0, $0x6  }
0xa: {  	s12 =	smul.u32 $0x4F0, s0;
	s31 =	sshrl.u32 s6, $0x1;
	s18 =	sor.u32 $0x1C02, s18  }
0xb: {  	s7 =	sadd.s32 s8, s7;
	s10 =	sadd.s32 s9, s5;
	s30 =	sshrl.u32 s29, $0x2  }
0xc: {  	s13 =	ssub.s32 s6, s31;
	s7 =	sshrl.u32 s7, $0x3;
	s14 =	sadd.s32 s12, s10  }
0xd: {  	s11 =	sadd.s32 s7, s5;
	s5 =	sadd.s32 s30, s3;
	s12 =	sadd.s32 $0x1800, s14  }
0xe: {  	s6 =	sadd.s32 $0x4000, s5;
	s7 =	sadd.s32 $0x8000, s5;
	s8 =	sadd.s32 $0xC000, s5  }
0xf: {  	s9 =	sadd.s32 $0x10000, s5;
	s10 =	sadd.s32 $0xB600, s11;
	s11 =	smax.u32 s13, $0x1  }
0x10: {  	v0 =	vimm.f32 $0.0e+00;
	s13 =	sadd.s32 $0x5A600, s14;
	s14 =	simm.s32 $0x100;
	s19 =	sshrl.u32 s5, $0x3  }
.LBB2_1:
0x11: {  	s21 =	simm.s32 $0x0;
	s22 =	simm.s32 $0x200  }
.LBB2_2:
0x12: {  	p0 =	sne.s32 s22, $0xFE00;
	[tilespmem:s21+$0x170] =	vst v0  }
0x13: {  	[tilespmem:s21+$0x100] =	vst v0  }
0x14: {  	[tilespmem:s21+$0x110] =	vst v0  }
.Ltmp0:
0x15: {  	[tilespmem:s21+$0x120] =	vst v0;
	(pc) =	sbr.rel @p0 .LBB2_2-.Ltmp0, $4  }
0x16: {  	[tilespmem:s21+$0x130] =	vst v0  }
0x17: {  	[tilespmem:s21+$0x140] =	vst v0  }
0x18: {  	[tilespmem:s21+$0x150] =	vst v0  }
0x19: {  	[tilespmem:s21+$0x160] =	vst v0;
	s21 =	sshra.s32 s22, $0x2;
	s22 =	sadd.s32 $0x200, s22  }
0x1a: {  	[tilespmem:s21+$0x170] =	vst v0  }
0x1b: {  	[tilespmem:s21+$0x100] =	vst v0  }
0x1c: {  	[tilespmem:s21+$0x110] =	vst v0  }
0x1d: {  	[tilespmem:s21+$0x120] =	vst v0  }
0x1e: {  	[tilespmem:s21+$0x130] =	vst v0  }
0x1f: {  	[tilespmem:s21+$0x140] =	vst v0  }
0x20: {  	[tilespmem:s21+$0x150] =	vst v0  }
0x21: {  	[tilespmem:s21+$0x160] =	vst v0  }
0x22: {  	[spmem:s5] =	stream.linear.scatter [tilespmem:s14], [sflag:$0x2], $0x4000, $0x38;
	[tilespmem:$0x17D00] =	vst v63  }
0x23: {  	_ =	swait.ge [sflag:s15], $0x4000  }
0x24: {  	[sflag:s15] =	ssyncset.done $0x0  }
0x25: {  	[sflag:s15] =	ssyncadd.s32 $0xFFFFC000  }
0x26: {  	[spmem:s6] =	stream.linear.scatter [tilespmem:s14], [sflag:$0x2], $0x4000, $0x38;
	[tilespmem:$0x17D00] =	vst v63  }
0x27: {  	_ =	swait.ge [sflag:s15], $0x4000  }
0x28: {  	[sflag:s15] =	ssyncset.done $0x0  }
0x29: {  	[sflag:s15] =	ssyncadd.s32 $0xFFFFC000  }
0x2a: {  	[spmem:s7] =	stream.linear.scatter [tilespmem:s14], [sflag:$0x2], $0x4000, $0x38;
	[tilespmem:$0x17D00] =	vst v63  }
0x2b: {  	_ =	swait.ge [sflag:s15], $0x4000  }
0x2c: {  	[sflag:s15] =	ssyncset.done $0x0  }
0x2d: {  	[sflag:s15] =	ssyncadd.s32 $0xFFFFC000  }
0x2e: {  	[spmem:s8] =	stream.linear.scatter [tilespmem:s14], [sflag:$0x2], $0x4000, $0x38;
	[tilespmem:$0x17D00] =	vst v63  }
0x2f: {  	_ =	swait.ge [sflag:s15], $0x4000  }
0x30: {  	[sflag:s15] =	ssyncset.done $0x0  }
0x31: {  	[sflag:s15] =	ssyncadd.s32 $0xFFFFC000  }
0x32: {  	[spmem:s9] =	stream.linear.scatter [tilespmem:s14], [sflag:$0x2], $0x3C00, $0x38;
	[tilespmem:$0x17D00] =	vst v63  }
0x33: {  	_ =	swait.ge [sflag:s15], $0x3C00  }
0x34: {  	[sflag:s15] =	ssyncset.done $0x0  }
0x35: {  	[sflag:s15] =	ssyncadd.s32 $0xFFFFC400  }
0x36: {  	s30 =	sadd.s32 $0x0, s13;
	[bflag:$0x0] =	sbarrier.arrive $0xFFFF  }
0x37: {  	[tilespmem:s4], [sflag:$0x2] =	stream.linear.gather [hbm4b:s30+s4], $0x80, $0x38;
	[tilespmem:$0x17D00] =	vst v63  }
0x38: {  	_ =	swait.ge [sflag:s15], $0x80  }
0x39: {  	[sflag:s15] =	ssyncset.done $0x0  }
0x3a: {  	s31 =	sadd.s32 $0x0, s12;
	[sflag:s15] =	ssyncadd.s32 $0xFFFFFF80  }
0x3b: {  	[tilespmem:s16], [sflag:$0x2] =	stream.linear.gather [hbm4b:s31+s4], $0x80, $0x38;
	[tilespmem:$0x17D00] =	vst v63  }
0x3c: {  	_ =	swait.ge [sflag:s15], $0x80  }
0x3d: {  	[sflag:s15] =	ssyncset.done $0x0  }
0x3e: {  	[sflag:s15] =	ssyncadd.s32 $0xFFFFFF80  }
0x3f: {  	[tilespmem:s14], [sflag:$0x1] =	stream.indirect.gather [hbm4b:s1+s16], $0x80, s4, s16, $0xb8;
	[tilespmem:$0x17D00] =	vst v63  }
0x40: {  	_ =	swait.ge [sflag:s17], $0x4000  }
0x41: {  	[sflag:s17] =	ssyncset.done $0x0  }
0x42: {  	[sflag:s17] =	ssyncadd.s32 $0xFFFFC000  }
0x43: {  	[spmem:s3] =	stream.indirect.scatter.add.f32 [tilespmem:s14], [sflag:$0x2], $0x80, s16, s16, $0xb8;
	[tilespmem:$0x17D00] =	vst v63  }
0x44: {  	_ =	swait.ge [sflag:s15], $0x4000  }
0x45: {  	s21 =	simm.s32 $0x10;
	s22 =	simm.s32 $0x20;
	[sflag:s15] =	ssyncset.done $0x0  }
.LBB2_4:
0x46: {  	s23 =	sadd.s32 s21, s13  }
0x47: {  	[sflag:s15] =	ssyncadd.s32 $0xFFFFC000;
	s24 =	smov.u32 s22;
	s25 =	sadd.s32 $0x10, s22  }
0x48: {  	[tilespmem:s4], [sflag:$0x2] =	stream.linear.gather [hbm4b:s23+s4], $0x80, $0x38;
	[tilespmem:$0x17D00] =	vst v63  }
0x49: {  	p0 =	sne.s32 s22, $0x4E0;
	_ =	swait.ge [sflag:s15], $0x80  }
0x4a: {  	[sflag:s15] =	ssyncset.done $0x0  }
0x4b: {  	s22 =	sadd.s32 s21, s12;
	s21 =	smov.u32 s24;
	[sflag:s15] =	ssyncadd.s32 $0xFFFFFF80  }
0x4c: {  	[tilespmem:s16], [sflag:$0x2] =	stream.linear.gather [hbm4b:s22+s4], $0x80, $0x38;
	[tilespmem:$0x17D00] =	vst v63  }
0x4d: {  	_ =	swait.ge [sflag:s15], $0x80  }
0x4e: {  	[sflag:s15] =	ssyncset.done $0x0  }
0x4f: {  	[sflag:s15] =	ssyncadd.s32 $0xFFFFFF80  }
0x50: {  	[tilespmem:s14], [sflag:$0x1] =	stream.indirect.gather [hbm4b:s1+s16], $0x80, s4, s16, $0xb8;
	[tilespmem:$0x17D00] =	vst v63  }
0x51: {  	_ =	swait.ge [sflag:s17], $0x4000  }
.Ltmp1:
0x52: {  	[sflag:s17] =	ssyncset.done $0x0;
	(pc) =	sbr.rel @p0 .LBB2_4-.Ltmp1, $4  }
0x53: {  	[sflag:s17] =	ssyncadd.s32 $0xFFFFC000  }
0x54: {  	[spmem:s3] =	stream.indirect.scatter.add.f32 [tilespmem:s14], [sflag:$0x2], $0x80, s16, s16, $0xb8;
	[tilespmem:$0x17D00] =	vst v63  }
0x55: {  	_ =	swait.ge [sflag:s15], $0x4000  }
0x56: {  	s22 =	smov.u32 s25;
	[sflag:s15] =	ssyncset.done $0x0  }
0x57: {  	s22 =	sadd.s32 s21, s13;
	[sflag:s15] =	ssyncadd.s32 $0xFFFFC000  }
0x58: {  	[tilespmem:s4], [sflag:$0x2] =	stream.linear.gather [hbm4b:s22+s4], $0x80, $0x38;
	[tilespmem:$0x17D00] =	vst v63  }
0x59: {  	_ =	swait.ge [sflag:s15], $0x80  }
0x5a: {  	[sflag:s15] =	ssyncset.done $0x0  }
0x5b: {  	s31 =	sadd.s32 s21, s12;
	[sflag:s15] =	ssyncadd.s32 $0xFFFFFF80  }
0x5c: {  	[tilespmem:s16], [sflag:$0x2] =	stream.linear.gather [hbm4b:s31+s4], $0x80, $0x38;
	[tilespmem:$0x17D00] =	vst v63  }
0x5d: {  	_ =	swait.ge [sflag:s15], $0x80  }
0x5e: {  	[sflag:s15] =	ssyncset.done $0x0  }
0x5f: {  	[sflag:s15] =	ssyncadd.s32 $0xFFFFFF80  }
0x60: {  	[tilespmem:s14], [sflag:$0x1] =	stream.indirect.gather [hbm4b:s1+s16], $0x80, s4, s16, $0xb8;
	[tilespmem:$0x17D00] =	vst v63  }
0x61: {  	_ =	swait.ge [sflag:s17], $0x4000  }
0x62: {  	[sflag:s17] =	ssyncset.done $0x0  }
0x63: {  	[sflag:s17] =	ssyncadd.s32 $0xFFFFC000  }
0x64: {  	[spmem:s3] =	stream.indirect.scatter.add.f32 [tilespmem:s14], [sflag:$0x2], $0x80, s16, s16, $0xb8;
	[tilespmem:$0x17D00] =	vst v63  }
0x65: {  	_ =	swait.ge [sflag:s15], $0x4000  }
0x66: {  	s20 =	sadd.s32 $0x1, s20;
	[sflag:s15] =	ssyncset.done $0x0  }
0x67: {  	p0 =	sne.s32 s20, s11;
	[sflag:s15] =	ssyncadd.s32 $0xFFFFC000  }
.Ltmp2:
0x68: {  	[bflag:$0x0] =	sbarrier.arrive $0xFFFF;
	(pc) =	sbr.rel @p0 .LBB2_1-.Ltmp2, $4  }
0x69: {  	[hbm:s10], [sflag:s18] =	dma.local [spmem:s19], $0x2780  }
0x6a: {  	_ =	swait.ge [sflag:s15], $0x2780  }
0x6b: {  	[sflag:s15] =	ssyncset.done $0x0  }
0x6c: {  	[sflag:s15] =	ssyncadd.s32 $0xFFFFD880  }
0x6d: {  	_ =	sfence.sel $0x180000  }
0x6e: {  	[bflag:$0x0] =	sbarrier.arrive $0xFFFF  }
0x6f: {  	p0 =	sne.s32 s0, $0x0;
	_ =	strace $0x9000004A  }
0x70: {  	s0 =	sadd.s32 @!p0 $0x100000, s2;
	[bflag:$0x2] =	sbarrier.arrive $0xFFFF  }
0x71: {  	[sflag:s0] =	ssyncadd.tile.s32 @!p0 $0x1;
	_ =	shalt  }
.Lfunc_end2:
_tile_overlayer_lowered:
.L_overlay_start_2:
0x72: {  	(tag) =	ssettag $0x2  }
0x73: {  	s0 =	rddreg [dreg:$0x0];
	s2 =	stileid.u32  }
0x74: {  	s1 =	rddreg [dreg:$0x1];
	p0 =	sne.s32 s2, $0x0  }
0x75: {  	s3 =	rddreg [dreg:$0x2];
	[bflag:$0x3] =	sbarrier.arrive $0xFFFF;
	s2 =	simm.s32 @!p0 $0x1C02  }
0x76: {  	[timem:s3], [sflag:s2] =	dma.local @!p0 [hbm:s0], s1  }
0x77: {  	s0 =	simm.s32 @!p0 $0x2  }
0x78: {  	_ =	swait.ge @!p0 [sflag:s0], s1  }
0x79: {  	s1 =	ssub.s32 @!p0 $0x0, s1;
	[sflag:s0] =	ssyncset.done @!p0 $0x0  }
0x7a: {  	[sflag:s0] =	ssyncadd.s32 @!p0 s1  }
0x7b: {  	[bflag:$0x3] =	sbarrier.arrive $0xFFFF  }
0x7c: {  	_ =	shalt  }

// kernel: kernel.8.cloned.1.call-start
scs
__scs_entry_jumppad:
0x0: {  	(pc) =	sbr.rel $0x88, $3  }
0x1: {  	(tag) =	ssettag $0x0;
	lr =	simm.s32 $0x1  }
0x2: {  	[smem:$0x3F9B] =	sst lr;
	_ =	strace $0xD0000000  }
0x3: {  	_ = 	snop  }
0x4: {  	_ = 	snop  }
0x5: {  	_ = 	snop  }
0x6: {  	_ = 	snop  }
0x7: {  	_ = 	snop  }
__scs_overlays_trampoline_lowered:
0x8: {  	[smem:$0x3FAA] =	sst s0  }
0x9: {  	[smem:$0x3FAB] =	sst s1  }
0xa: {  	[smem:$0x3FAC] =	sst s2  }
0xb: {  	[smem:$0x3FAD] =	sst s3  }
0xc: {  	[smem:$0x3FAE] =	sst s4  }
0xd: {  	[smem:$0x3FAF] =	sst s5  }
0xe: {  	[smem:$0x3FB0] =	sst s6  }
0xf: {  	[smem:$0x3FB1] =	sst s7  }
0x10: {  	[smem:$0x3FB2] =	sst s8  }
0x11: {  	[smem:$0x3FB3] =	sst s9;
	s0 =	simm.s32 @!p0 $0x0  }
0x12: {  	s1 =	sld [smem:$0x3F99];
	s0 =	simm.s32 @p0 $0x1  }
0x13: {  	[smem:$0x3FB4] =	sst s0;
	s0 =	simm.s32 @!p1 $0x0  }
0x14: {  	s2 =	sld [smem:$0x3F98];
	s0 =	simm.s32 @p1 $0x1  }
0x15: {  	[smem:$0x3FB5] =	sst s0;
	s0 =	simm.s32 @!p2 $0x0  }
0x16: {  	s3 =	sld [smem:$0x3FDB];
	s0 =	simm.s32 @p2 $0x1  }
0x17: {  	s4 =	simm.s32 $0x1BF5;
	[smem:$0x3FB7] =	sst s0  }
0x18: {  	s0 =	sld [smem:$0x3F9A];
	_ =	swait.ge [sflag:s4], $0x0  }
0x19: {  	s7 =	sld [smem:$0x3F9B]  }
0x1a: {  	s8 =	sadd.s32 $0xFFFFE003, lr  }
0x1b: {  	s9 =	sadd.s32 $0xFFFFFEF7, lr;
	s5 =	simm.s32 $0xFFFFFFFF;
	p2 =	slt.u32 s8, $0xFFFFF086  }
0x1c: {  	p1 =	slt.u32 s9, $0xF7A;
	s5 =	simm.s32 @!p2 $0x0  }
0x1d: {  	s5 =	simm.s32 @p1 $0x1;
	p0 =	seq.s32 s7, s2  }
0x1e: {  	s7 =	smul.u32 @!p0 $0xF7A, s2;
	p2 =	seq.s32 @!p0 s5, $0x0  }
0x1f: {  	s9 =	smul.u32 $0xF7A, s1;
	s8 =	simm.s32 @!p0 $0x1BF5;
	p2 =	por !p2, p0  }
0x20: {  	[sflag:s8] =	ssyncset.s32 @!p0 $0xFFFFF086;
	s6 =	sadd.s32 @!p0 s3, s7;
	s7 =	simm.s32 @!p0 $0x108  }
0x21: {  	s3 =	sadd.s32 s3, s9;
	s6 =	sadd.s32 @!p0 $0x88, s6;
	s7 =	simm.s32 @p2 $0x1082  }
0x22: {  	[simem:s7], [sflag:s8] =	dma.local @!p0 [hbm:s6], $0xF7A  }
0x23: {  	s9 =	sor.u32 $0xD0000000, s2;
	s6 =	simm.s32 $0x108;
	_ =	swait.ge @!p0 [sflag:s8], $0x0  }
0x24: {  	s3 =	sadd.s32 $0x88, s3;
	s6 =	simm.s32 @!p1 $0x1082;
	[sflag:s4] =	ssyncset.s32 $0xFFFFF086  }
0x25: {  	[simem:s6], [sflag:s4] =	dma.local [hbm:s3], $0xF7A  }
0x26: {  	[smem:$0x3F9B] =	sst s1;
	(tag) =	ssettag s2;
	_ =	strace s9  }
0x27: {  	s1 =	sld [smem:$0x3FAB]  }
0x28: {  	s2 =	sld [smem:$0x3FAC]  }
0x29: {  	s4 =	sld [smem:$0x3FAE]  }
0x2a: {  	p0 =	seq.s32 s5, $0x0;
	s5 =	sld [smem:$0x3FAF]  }
0x2b: {  	s6 =	sld [smem:$0x3FB0]  }
0x2c: {  	s7 =	sld [smem:$0x3FB1]  }
0x2d: {  	s3 =	simm.s32 $0x108;
	s8 =	sld [smem:$0x3FB2]  }
0x2e: {  	s3 =	simm.s32 @!p0 $0x1082;
	s9 =	sld [smem:$0x3FB3]  }
0x2f: {  	lr =	sadd.s32 s0, s3;
	s0 =	sld [smem:$0x3FAA]  }
0x30: {  	s3 =	sld [smem:$0x3FAD]  }
0x31: {  	[smem:$0x3FB6] =	sst s10  }
0x32: {  	s10 =	sld [smem:$0x3FB4];
	_ =	sdelay $0x3  }
0x33: {  	p0 =	seq.s32 s10, $0x1;
	s10 =	sld [smem:$0x3FB6];
	_ =	sdelay $0x3  }
0x34: {  	[smem:$0x3FB6] =	sst s10  }
0x35: {  	s10 =	sld [smem:$0x3FB5];
	_ =	sdelay $0x3  }
0x36: {  	p1 =	seq.s32 s10, $0x1;
	s10 =	sld [smem:$0x3FB6];
	_ =	sdelay $0x3  }
0x37: {  	[smem:$0x3FB6] =	sst s10  }
0x38: {  	s10 =	sld [smem:$0x3FB7]  }
0x39: {  	_ = 	snop;
	(pc) =	sbr.ind lr, $3  }
0x3a: {  	_ = 	snop  }
0x3b: {  	_ = 	snop  }
0x3c: {  	p2 =	seq.s32 s10, $0x1;
	s10 =	sld [smem:$0x3FB6]  }
0x3d: {  	_ =	shalt  }
0x3e: {  	_ =	shalt  }
0x3f: {  	_ =	shalt  }
0x40: {  	_ =	shalt  }
0x41: {  	_ =	shalt  }
0x42: {  	_ =	shalt  }
0x43: {  	_ =	shalt  }
0x44: {  	_ =	shalt  }
0x45: {  	_ =	shalt  }
0x46: {  	_ =	shalt  }
0x47: {  	_ =	shalt  }
0x48: {  	_ =	shalt  }
0x49: {  	_ =	shalt  }
0x4a: {  	_ =	shalt  }
0x4b: {  	_ =	shalt  }
0x4c: {  	_ =	shalt  }
0x4d: {  	_ =	shalt  }
0x4e: {  	_ =	shalt  }
0x4f: {  	_ =	shalt  }
0x50: {  	_ =	shalt  }
0x51: {  	_ =	shalt  }
0x52: {  	_ =	shalt  }
0x53: {  	_ =	shalt  }
0x54: {  	_ =	shalt  }
0x55: {  	_ =	shalt  }
0x56: {  	_ =	shalt  }
0x57: {  	_ =	shalt  }
0x58: {  	_ =	shalt  }
0x59: {  	_ =	shalt  }
0x5a: {  	_ =	shalt  }
0x5b: {  	_ =	shalt  }
0x5c: {  	_ =	shalt  }
0x5d: {  	_ =	shalt  }
0x5e: {  	_ =	shalt  }
0x5f: {  	_ =	shalt  }
0x60: {  	_ =	shalt  }
0x61: {  	_ =	shalt  }
0x62: {  	_ =	shalt  }
0x63: {  	_ =	shalt  }
0x64: {  	_ =	shalt  }
0x65: {  	_ =	shalt  }
0x66: {  	_ =	shalt  }
0x67: {  	_ =	shalt  }
0x68: {  	_ =	shalt  }
0x69: {  	_ =	shalt  }
0x6a: {  	_ =	shalt  }
0x6b: {  	_ =	shalt  }
0x6c: {  	_ =	shalt  }
0x6d: {  	_ =	shalt  }
0x6e: {  	_ =	shalt  }
0x6f: {  	_ =	shalt  }
0x70: {  	_ =	shalt  }
0x71: {  	_ =	shalt  }
0x72: {  	_ =	shalt  }
0x73: {  	_ =	shalt  }
0x74: {  	_ =	shalt  }
0x75: {  	_ =	shalt  }
0x76: {  	_ =	shalt  }
0x77: {  	_ =	shalt  }
0x78: {  	_ =	shalt  }
0x79: {  	_ =	shalt  }
0x7a: {  	_ =	shalt  }
0x7b: {  	_ =	shalt  }
0x7c: {  	_ =	shalt  }
0x7d: {  	_ =	shalt  }
0x7e: {  	_ =	shalt  }
0x7f: {  	_ =	shalt  }
0x80: {  	_ =	shalt  }
0x81: {  	_ =	shalt  }
0x82: {  	_ =	shalt  }
0x83: {  	_ =	shalt  }
0x84: {  	_ =	shalt  }
0x85: {  	_ =	shalt  }
0x86: {  	_ =	shalt  }
0x87: {  	_ =	shalt  }
.Lfunc_end0:
.L_simem_size_0:
called_computation_lowered:
.L_overlay_start_0:
0x88: {  	s2 =	sld [smem:$0x3FD9]  }
0x89: {  	s3 =	sld [smem:$0x3FFE];
	_ =	sdelay $0x1  }
0x8a: {  	s1 =	srdreg.scid  }
0x8b: {  	s0 =	sand.u32 $0x1, s1  }
0x8c: {  	s16 =	sshll.u32 s0, $0xA;
	s2 =	sadd.s32 s3, s2  }
0x8d: {  	s2 =	sadd.s32 s2, s16  }
0x8e: {  	[smem:$0x3FC2] =	sst s2  }
0x8f: {  	_ = 	snop  }
0x90: {  	(tm) =	ssettm $0x1  }
0x91: {  	s17 =	sld [smem:$0x3FFB];
	_ =	sdelay $0x3  }
0x92: {  	_ =	strace s17  }
0x93: {  	s2 =	sld [smem:$0x3FFC];
	_ =	sdelay $0x3  }
0x94: {  	_ =	strace s2  }
0x95: {  	s2 =	sld [smem:$0x3FFD];
	_ =	sdelay $0x3  }
0x96: {  	_ =	strace s2  }
0x97: {  	_ =	strace $0x8FFFFFFF  }
0x98: {  	s18 =	sld [smem:$0x3FDB];
	_ =	sdelay $0x1  }
0x99: {  	s19 =	simm.s32 $_scs_section_size  }
0x9a: {  	s4 =	simm.s32 $_size__tile_overlayer_lowered;
	s5 =	simm.s32 $_tile_overlayer_lowered  }
0x9b: {  	s22 =	simm.s32 $0x1BFF;
	s21 =	sshll.u32 s5, $0x1;
	s2 =	sadd.s32 s19, s18  }
0x9c: {  	s6 =	simm.s32 $0x0;
	s20 =	sshll.u32 s4, $0x1;
	s4 =	sadd.s32 s21, s2  }
0x9d: {  	[timem:s6], [sflag:s22] =	dma.local [hbm:s4], s20  }
0x9e: {  	_ =	swait.ge [sflag:s22], s20  }
0x9f: {  	s3 =	ssub.s32 $0x0, s20;
	[sflag:s22] =	ssyncset.done $0x0  }
0xa0: {  	[sflag:s22] =	ssyncadd.s32 s3;
	_ =	sdelay $0x1  }
0xa1: {  	s23 =	simm.s32 $0x1B8B  }
0xa2: {  	_ =	swait.ge [sflag:s23], $0x1  }
0xa3: {  	[sflag:s23] =	ssyncset.done $0x0  }
0xa4: {  	s25 =	simm.s32 $0x1B8E;
	s24 =	sld [smem:$0x3FFE];
	[sflag:s23] =	ssyncadd.s32 $0xFFFFFFFF  }
0xa5: {  	s26 =	simm.s32 $execute0_lowered;
	[smem:$0x3FD2] =	sst s25  }
0xa6: {  	s4 =	sshll.u32 s26, $0x1;
	_ =	strace $0x80000046;
	[dreg:$0x1] =	wrdreg $0xFFFFFFFF  }
0xa7: {  	s28 =	simm.s32 $_size_execute0_lowered;
	s2 =	sadd.s32 s2, s4;
	[dreg:$0x0] =	wrdreg $0x0  }
0xa8: {  	s4 =	sshll.u32 s28, $0x1;
	[dreg:$0x2] =	wrdreg s2  }
0xa9: {  	[dreg:$0x3] =	wrdreg s4  }
0xaa: {  	[dreg:$0x4] =	wrdreg $0xC0  }
0xab: {  	_ =	task [dreg:s6], $0x5FFFF  }
0xac: {  	[dreg:$0x1] =	wrdreg $0xFFFFFFFF  }
0xad: {  	[dreg:$0x0] =	wrdreg $0x60  }
0xae: {  	[dreg:$0x2] =	wrdreg s24  }
0xaf: {  	[dreg:$0x3] =	wrdreg $0x9  }
0xb0: {  	_ =	task.clear_ibuf [dreg:s6], $0x4FFFF;
	_ =	strace $0x90000046  }
0xb1: {  	s29 =	simm.s32 $0x9;
	_ =	strace $0x80000048  }
0xb2: {  	_ =	swait.ge [sflag:s29], $0x1  }
0xb3: {  	[sflag:s29] =	ssyncadd.s32 $0xFFFFFFFF  }
0xb4: {  	_ =	strace $0x90000048  }
0xb5: {  	_ =	sfence  }
0xb6: {  	s30 =	sld [smem:$0x0];
	_ =	sdelay $0x2  }
0xb7: {  	s31 =	sshll.u32 s1, $0xD;
	s1 =	sshrl.u32 s1, $0x2  }
0xb8: {  	s3 =	sand.u32 $0x4000, s31;
	s1 =	sadd.s32 s1, s30  }
0xb9: {  	s0 =	sor.u32 s3, s0;
	s1 =	sshll.u32 s1, $0x11  }
0xba: {  	s0 =	sor.u32 s1, s0  }
0xbb: {  	s0 =	sadd.s32 $0x8F2B, s0  }
0xbc: {  	[sflag:s0] =	ssyncadd.remote.s32 $0x1  }
0xbd: {  	_ =	sfence.sel $0xFFFF  }
0xbe: {  	[dreg:$0x0] =	wrdreg $0xFFFFFFFF;
	(pc) =	sbr.abs _section_cstart, $3  }
0xbf: {  	[dreg:$0x1] =	wrdreg $0xFFFFFFFF  }
0xc0: {  	_ =	task.clear_ibuf [dreg:s6], $0x2FFFF;
	_ =	strace $0x9FFFFFFF  }
0xc1: {  	(tm) =	ssettm $0x7FFFFFFF  }
tec
execute0_lowered:
.L_overlay_start_1:
0x0: {  	(tag) =	ssettag $0x1  }
0x1: {  	s0 =	srdreg.scid;
	s4 =	rddreg [dreg:$0x0]  }
0x2: {  	s2 =	simm.s32 $0x0;
	s3 =	sand.u32 $0x1, s0;
	s0 =	stileid.u32  }
0x3: {  	[smem:$0x7FF] =	sst s2;
	s5 =	smul.u32 $0x4F00, s3  }
0x4: {  	s1 =	sshll.u32 s3, $0x4;
	s3 =	ssub.s32 $0x2, s3;
	s7 =	smul.u32 $0x4F0, s0  }
0x5: {  	s6 =	sor.u32 s0, s1;
	s1 =	rddreg [dreg:$0x1];
	_ =	strace $0x80000047  }
0x6: {  	s8 =	sshrl.u32 s3, $0x1;
	s6 =	smul.u32 $0x2780, s6;
	s5 =	sadd.s32 s5, s4  }
0x7: {  	s31 =	ssub.s32 s3, s8;
	s8 =	simm.s32 $0x0;
	s5 =	sadd.s32 s7, s5  }
0x8: {  	v0 =	vimm.f32 $0.0e+00;
	v1 =	vlaneseq.u32;
	s7 =	simm.s32 $0x80;
	s4 =	sadd.s32 s6, s4;
	s5 =	sadd.s32 $0x1800, s5  }
0x9: {  	v2 =	vimm.f32 $1.000000000e+00;
	vm0 =	vcmask $0x3F20;
	v1 =	vand.u32 $0x7, v1;
	s6 =	simm.s32 $0x1;
	s3 =	sadd.s32 $0xB600, s4;
	s4 =	smax.u32 s31, $0x1  }
.LBB2_1:
0xa: {  	s9 =	simm.s32 $0x0;
	s10 =	simm.s32 $0x200  }
.LBB2_2:
0xb: {  	p0 =	sne.s32 s10, $0x4EE00;
	[tilespmem:s9+$0xF0] =	vst v0  }
0xc: {  	[tilespmem:s9+$0x80] =	vst v0  }
0xd: {  	[tilespmem:s9+$0x90] =	vst v0  }
.Ltmp0:
0xe: {  	[tilespmem:s9+$0xA0] =	vst v0;
	(pc) =	sbr.rel @p0 .LBB2_2-.Ltmp0, $4  }
0xf: {  	[tilespmem:s9+$0xB0] =	vst v0  }
0x10: {  	[tilespmem:s9+$0xC0] =	vst v0  }
0x11: {  	[tilespmem:s9+$0xD0] =	vst v0  }
0x12: {  	[tilespmem:s9+$0xE0] =	vst v0;
	s9 =	sshra.s32 s10, $0x2;
	s10 =	sadd.s32 $0x200, s10  }
0x13: {  	[tilespmem:s9+$0xF0] =	vst v0  }
0x14: {  	[tilespmem:s9+$0x80] =	vst v0  }
0x15: {  	[tilespmem:s9+$0x90] =	vst v0  }
0x16: {  	[tilespmem:s9+$0xA0] =	vst v0  }
0x17: {  	[tilespmem:s9+$0xB0] =	vst v0  }
0x18: {  	[tilespmem:s9+$0xC0] =	vst v0  }
0x19: {  	[tilespmem:s9+$0xD0] =	vst v0  }
0x1a: {  	[tilespmem:s9+$0xE0] =	vst v0;
	s9 =	simm.s32 $0x0  }
.LBB2_4:
0x1b: {  	s10 =	sadd.s32 s9, s5  }
0x1c: {  	[tilespmem:s2], [sflag:$0x1] =	stream.linear.gather [hbm4b:s10+s2], $0x80, $0x38;
	[tilespmem:$0x13C80] =	vst v63  }
0x1d: {  	_ =	swait.ge [sflag:s6], $0x80  }
0x1e: {  	[sflag:s6] =	ssyncset.done $0x0  }
0x1f: {  	[sflag:s6] =	ssyncadd.s32 $0xFFFFFF80  }
0x20: {  	v3 =	vld [tilespmem:$0x0];
	_ =	sdelay $0x4  }
0x21: {  	v3 =	vshll.u32 v3, $0x3  }
0x22: {  	v3 =	vor.u32 v1, v3;
	_ =	sdelay $0x4  }
0x23: {  	[tilespmem:v3+s7+$0x0] =	vst.idx.add.f32.msk $0xff, v2  }
0x24: {  	[tilespmem:v3+s7+$0x0] =	vst.idx.add.f32.msk vm0, v2  }
0x25: {  	v3 =	vld [tilespmem:$0x10];
	_ =	sdelay $0x4  }
0x26: {  	v3 =	vshll.u32 v3, $0x3  }
0x27: {  	v3 =	vor.u32 v1, v3;
	_ =	sdelay $0x4  }
0x28: {  	[tilespmem:v3+s7+$0x0] =	vst.idx.add.f32.msk $0xff, v2  }
0x29: {  	[tilespmem:v3+s7+$0x0] =	vst.idx.add.f32.msk vm0, v2  }
0x2a: {  	v3 =	vld [tilespmem:$0x20];
	_ =	sdelay $0x4  }
0x2b: {  	v3 =	vshll.u32 v3, $0x3  }
0x2c: {  	v3 =	vor.u32 v1, v3;
	_ =	sdelay $0x4  }
0x2d: {  	[tilespmem:v3+s7+$0x0] =	vst.idx.add.f32.msk $0xff, v2  }
0x2e: {  	[tilespmem:v3+s7+$0x0] =	vst.idx.add.f32.msk vm0, v2  }
0x2f: {  	v3 =	vld [tilespmem:$0x30];
	_ =	sdelay $0x4  }
0x30: {  	v3 =	vshll.u32 v3, $0x3  }
0x31: {  	v3 =	vor.u32 v1, v3;
	_ =	sdelay $0x4  }
0x32: {  	[tilespmem:v3+s7+$0x0] =	vst.idx.add.f32.msk $0xff, v2  }
0x33: {  	[tilespmem:v3+s7+$0x0] =	vst.idx.add.f32.msk vm0, v2  }
0x34: {  	v3 =	vld [tilespmem:$0x40];
	_ =	sdelay $0x4  }
0x35: {  	v3 =	vshll.u32 v3, $0x3  }
0x36: {  	v3 =	vor.u32 v1, v3;
	_ =	sdelay $0x4  }
0x37: {  	[tilespmem:v3+s7+$0x0] =	vst.idx.add.f32.msk $0xff, v2  }
0x38: {  	[tilespmem:v3+s7+$0x0] =	vst.idx.add.f32.msk vm0, v2  }
0x39: {  	v3 =	vld [tilespmem:$0x50];
	_ =	sdelay $0x4  }
0x3a: {  	v3 =	vshll.u32 v3, $0x3  }
0x3b: {  	v3 =	vor.u32 v1, v3;
	_ =	sdelay $0x4  }
0x3c: {  	[tilespmem:v3+s7+$0x0] =	vst.idx.add.f32.msk $0xff, v2  }
0x3d: {  	[tilespmem:v3+s7+$0x0] =	vst.idx.add.f32.msk vm0, v2  }
0x3e: {  	v3 =	vld [tilespmem:$0x60];
	_ =	sdelay $0x4  }
0x3f: {  	v3 =	vshll.u32 v3, $0x3  }
0x40: {  	v3 =	vor.u32 v1, v3;
	_ =	sdelay $0x4  }
0x41: {  	[tilespmem:v3+s7+$0x0] =	vst.idx.add.f32.msk $0xff, v2  }
0x42: {  	[tilespmem:v3+s7+$0x0] =	vst.idx.add.f32.msk vm0, v2  }
0x43: {  	v3 =	vld [tilespmem:$0x70];
	_ =	sdelay $0x4  }
0x44: {  	v3 =	vshll.u32 v3, $0x3  }
0x45: {  	v3 =	vor.u32 v1, v3  }
0x46: {  	p0 =	sne.s32 s9, $0x4E0  }
.Ltmp1:
0x47: {  	_ = 	snop;
	(pc) =	sbr.rel @p0 .LBB2_4-.Ltmp1, $3  }
0x48: {  	_ =	sdelay $0x1  }
0x49: {  	[tilespmem:v3+s7+$0x0] =	vst.idx.add.f32.msk $0xff, v2  }
0x4a: {  	s9 =	sadd.s32 $0x10, s9;
	[tilespmem:v3+s7+$0x0] =	vst.idx.add.f32.msk vm0, v2  }
0x4b: {  	s8 =	sadd.s32 $0x1, s8  }
0x4c: {  	p0 =	sne.s32 s8, s4  }
.Ltmp2:
0x4d: {  	_ = 	snop;
	(pc) =	sbr.rel @p0 .LBB2_1-.Ltmp2, $4  }
0x4e: {  	[hbm4b:s3+s2] =	stream.linear.scatter [tilespmem:s7], [sflag:$0x1], $0x13C00, $0x38;
	[tilespmem:$0x13C80] =	vst v63  }
0x4f: {  	_ =	swait.ge [sflag:s6], $0x13C00  }
0x50: {  	[sflag:s6] =	ssyncset.done $0x0  }
0x51: {  	[sflag:s6] =	ssyncadd.s32 $0xFFFEC400  }
0x52: {  	_ =	sfence.sel $0x180000  }
0x53: {  	[bflag:$0x0] =	sbarrier.arrive $0xFFFF  }
0x54: {  	p0 =	sne.s32 s0, $0x0;
	_ =	strace $0x90000047  }
0x55: {  	s0 =	sadd.s32 @!p0 $0x100000, s1;
	[bflag:$0x2] =	sbarrier.arrive $0xFFFF  }
0x56: {  	[sflag:s0] =	ssyncadd.tile.s32 @!p0 $0x1;
	_ =	shalt  }
.Lfunc_end2:
_tile_overlayer_lowered:
.L_overlay_start_2:
0x57: {  	(tag) =	ssettag $0x2  }
0x58: {  	s0 =	rddreg [dreg:$0x0];
	s2 =	stileid.u32  }
0x59: {  	s1 =	rddreg [dreg:$0x1];
	p0 =	sne.s32 s2, $0x0  }
0x5a: {  	s3 =	rddreg [dreg:$0x2];
	[bflag:$0x3] =	sbarrier.arrive $0xFFFF;
	s2 =	simm.s32 @!p0 $0x1C01  }
0x5b: {  	[timem:s3], [sflag:s2] =	dma.local @!p0 [hbm:s0], s1  }
0x5c: {  	s0 =	simm.s32 @!p0 $0x1  }
0x5d: {  	_ =	swait.ge @!p0 [sflag:s0], s1  }
0x5e: {  	s1 =	ssub.s32 @!p0 $0x0, s1;
	[sflag:s0] =	ssyncset.done @!p0 $0x0  }
0x5f: {  	[sflag:s0] =	ssyncadd.s32 @!p0 s1  }
0x60: {  	[bflag:$0x3] =	sbarrier.arrive $0xFFFF  }
0x61: {  	_ =	shalt  }

</sc_bundles>
